<compile_context>
chip_gen: v7x
topology: tpu7x:2x2x1
jax: 0.10.2.dev20260603
libtpu: 0.0.44.dev20260713+nightly
codegen_flags: <defaults>
</compile_context>

<pallas_src>
import functools

import jax
import jax.numpy as jnp
from jax import lax
from jax.experimental import pallas as pl
from jax.experimental.pallas import tpu as pltpu
from jax.experimental.pallas import tpu_sc as plsc

_L = 16


@functools.lru_cache(maxsize=None)
def _build_sc_argmax_copy(B, M, N):
    NW = 32
    rows_per_w = B // NW
    nchunk = N // _L
    assert N % _L == 0 and B % NW == 0

    mesh = plsc.VectorSubcoreMesh(core_axis_name="c", subcore_axis_name="s")

    @functools.partial(
        pl.kernel,
        mesh=mesh,
        out_type=[
            jax.ShapeDtypeStruct((B, _L), jnp.int32),
            jax.ShapeDtypeStruct((B, N), jnp.float32),
        ],
        scratch_types=[
            pltpu.VMEM((N,), jnp.float32),
            pltpu.VMEM((rows_per_w, _L), jnp.int32),
            pltpu.SemaphoreType.DMA,
        ],
    )
    def sc_kernel(scores, vertexp, probas, row_v, idx_v, out_sem):
        wid = lax.axis_index("s") * 2 + lax.axis_index("c")
        lanes = lax.iota(jnp.int32, 16)
        out_h = None
        for rr in range(rows_per_w):
            r = wid * rows_per_w + rr
            pltpu.sync_copy(scores.at[r * M + (M - 1)], row_v)
            out_h = pltpu.async_copy(row_v, probas.at[r], out_sem)

            half = nchunk // 2
            seg = half * _L

            def body(i, carry):
                va, ia, vb, ib = carry
                bi = lanes + i * _L
                a = row_v[pl.ds(i * _L, _L)]
                b = row_v[pl.ds(seg + i * _L, _L)]
                ma = a > va
                mb = b > vb
                return (
                    jnp.where(ma, a, va),
                    jnp.where(ma, bi, ia),
                    jnp.where(mb, b, vb),
                    jnp.where(mb, bi, ib),
                )

            ninf = jnp.full((_L,), -jnp.inf, jnp.float32)
            va, ia, vb, ib = lax.fori_loop(
                0, half, body, (ninf, lanes, ninf, lanes), unroll=25
            )
            mb = vb > va
            vmax = jnp.where(mb, vb, va)
            vidx = jnp.where(mb, ib + seg, ia)
            for sh in (8, 4, 2, 1):
                pidx = lanes ^ sh
                vmax2 = vmax.at[pidx].get(mode="promise_in_bounds")
                vidx2 = vidx.at[pidx].get(mode="promise_in_bounds")
                better = (vmax2 > vmax) | ((vmax2 == vmax) & (vidx2 < vidx))
                vmax = jnp.where(better, vmax2, vmax)
                vidx = jnp.where(better, vidx2, vidx)
            idx_v[rr, :] = vidx
            out_h.wait()
        pltpu.sync_copy(idx_v, vertexp.at[pl.ds(wid * rows_per_w, rows_per_w)])

    return sc_kernel


def kernel(scores, greedy):
    B, M, N = scores.shape
    vertexp, probas = _build_sc_argmax_copy(B, M, N)(scores.reshape(B * M, N))
    vertex = vertexp[:, 0].reshape(B, 1)
    return (vertex, probas)

# --- scband reference (transcript-rebuilt; emitter-appended) ---
"""Pipeline reference for scband-simplex-sampler-10746008175513 (READ-ONLY COPY).

The authoritative reference and input builder live on the scoring server;
editing this copy changes nothing except your own understanding.
"""

import jax, jax.numpy as jnp
import numpy as np


def setup_inputs(seed: int = 0) -> dict:
    key = jax.random.key(seed)
    k1, _ = jax.random.split(key)
    scores = jax.random.uniform(k1, (64, 4, 100000), dtype=jnp.float32)
    return {"scores": scores, "greedy": True}


def reference(scores, greedy):
    # scores: (B, M, n). Take the last simplex along the manifold dim.
    batch_size = scores.shape[0]
    probas_dist = scores[:, -1, :]
    vertex_greedy = jnp.argmax(probas_dist, axis=1)
    # multinomial sampling without replacement (1 sample) == categorical
    logits = jnp.log(probas_dist)
    vertex_sampled = jax.random.categorical(jax.random.key(42), logits, axis=1)
    vertex = jnp.where(greedy, vertex_greedy, vertex_sampled)
    vertex = vertex.reshape(batch_size, 1)
    return (vertex, probas_dist)

if __name__ == "__main__":
    import jax
    _d = setup_inputs()
    print(jax.jit(kernel)(*tuple(_d.values())))

</pallas_src>

<mosaic_0001>
#map = affine_map<(d0, d1) -> (0, 0)>
module attributes {stable_mosaic.version = 14 : i64} {
  func.func @sc_kernel(%arg0: i32, %arg1: i32, %arg2: memref<256x100000xf32, #tpu.memory_space<hbm>>, %arg3: memref<64x16xi32, #tpu.memory_space<hbm>>, %arg4: memref<64x100000xf32, #tpu.memory_space<hbm>>, %arg5: memref<100000xf32, #tpu.memory_space<vmem>>, %arg6: memref<2x16xi32, #tpu.memory_space<vmem>>, %arg7: memref<!tpu.dma_semaphore, #tpu.memory_space<semaphore_mem>>) attributes {dimension_semantics = [#tpu.dimension_semantics<core_parallel>, #tpu.dimension_semantics<subcore_parallel>], iteration_bounds = array<i64: 2, 16>, scalar_prefetch = 0 : i64, scratch_operands = 3 : i64, tpu.core_type = #tpu.core_type<sc_vector_subcore>, window_params = [{transform_indices = #map}, {transform_indices = #map}, {transform_indices = #map}]} {
    %mul3A = arith.constant 2 : i32
    %mul3A_0 = arith.muli %arg1, %mul3A : i32
    %add3A = arith.addi %mul3A_0, %arg0 : i32
    %iota3A = tpu.iota {dimensions = array<i32: 0>} : vector<16xi32>
    %mul3A_1 = arith.constant 2 : i32
    %mul3A_2 = arith.muli %add3A, %mul3A_1 : i32
    %add3A_3 = arith.constant 0 : i32
    %add3A_4 = arith.addi %mul3A_2, %add3A_3 : i32
    %mul3A_5 = arith.constant 4 : i32
    %mul3A_6 = arith.muli %add3A_4, %mul3A_5 : i32
    %add3A_7 = arith.constant 3 : i32
    %add3A_8 = arith.addi %mul3A_6, %add3A_7 : i32
    "tpu.region"() ({
      %run_scoped3A = tpu.sem_alloc : memref<!tpu.dma_semaphore, #tpu.memory_space<semaphore_mem>>
      %dma_start3A_310 = arith.constant 0 : i32
      %dma_start3A_311 = tpu.memref_slice %arg2[%add3A_8, %dma_start3A_310] : memref<256x100000xf32, #tpu.memory_space<hbm>> -> memref<1x100000xf32, #tpu.memory_space<hbm>>
      %dma_start3A_312 = tpu.memref_squeeze %dma_start3A_311 : memref<1x100000xf32, #tpu.memory_space<hbm>> -> memref<100000xf32, #tpu.memory_space<hbm>>
      %dma_start3A_313 = arith.constant 0 : i32
      %dma_start3A_314 = tpu.memref_slice %arg2[%add3A_8, %dma_start3A_313] : memref<256x100000xf32, #tpu.memory_space<hbm>> -> memref<1x100000xf32, #tpu.memory_space<hbm>>
      %dma_start3A_315 = tpu.memref_squeeze %dma_start3A_314 : memref<1x100000xf32, #tpu.memory_space<hbm>> -> memref<100000xf32, #tpu.memory_space<hbm>>
      tpu.enqueue_dma source(%dma_start3A_315 : memref<100000xf32, #tpu.memory_space<hbm>>) target(%arg5 : memref<100000xf32, #tpu.memory_space<vmem>>) target_semaphore(%run_scoped3A : memref<!tpu.dma_semaphore, #tpu.memory_space<semaphore_mem>>)
      %dma_wait3A_316 = arith.constant 0 : i32
      %dma_wait3A_317 = tpu.memref_slice %arg2[%add3A_8, %dma_wait3A_316] : memref<256x100000xf32, #tpu.memory_space<hbm>> -> memref<1x100000xf32, #tpu.memory_space<hbm>>
      %dma_wait3A_318 = tpu.memref_squeeze %dma_wait3A_317 : memref<1x100000xf32, #tpu.memory_space<hbm>> -> memref<100000xf32, #tpu.memory_space<hbm>>
      %dma_wait3A_319 = arith.constant 0 : i32
      %dma_wait3A_320 = tpu.memref_slice %arg2[%add3A_8, %dma_wait3A_319] : memref<256x100000xf32, #tpu.memory_space<hbm>> -> memref<1x100000xf32, #tpu.memory_space<hbm>>
      %dma_wait3A_321 = tpu.memref_squeeze %dma_wait3A_320 : memref<1x100000xf32, #tpu.memory_space<hbm>> -> memref<100000xf32, #tpu.memory_space<hbm>>
      tpu.wait_dma2 semaphore(%run_scoped3A : memref<!tpu.dma_semaphore, #tpu.memory_space<semaphore_mem>>) src(%dma_wait3A_321 : memref<100000xf32, #tpu.memory_space<hbm>>) dst(%arg5 : memref<100000xf32, #tpu.memory_space<vmem>>)
      tpu.yield
    }) : () -> ()
    %dma_start3A = arith.constant 0 : i32
    %dma_start3A_9 = tpu.memref_slice %arg4[%add3A_4, %dma_start3A] : memref<64x100000xf32, #tpu.memory_space<hbm>> -> memref<1x100000xf32, #tpu.memory_space<hbm>>
    %dma_start3A_10 = tpu.memref_squeeze %dma_start3A_9 : memref<1x100000xf32, #tpu.memory_space<hbm>> -> memref<100000xf32, #tpu.memory_space<hbm>>
    %dma_start3A_11 = arith.constant 0 : i32
    %dma_start3A_12 = tpu.memref_slice %arg4[%add3A_4, %dma_start3A_11] : memref<64x100000xf32, #tpu.memory_space<hbm>> -> memref<1x100000xf32, #tpu.memory_space<hbm>>
    %dma_start3A_13 = tpu.memref_squeeze %dma_start3A_12 : memref<1x100000xf32, #tpu.memory_space<hbm>> -> memref<100000xf32, #tpu.memory_space<hbm>>
    tpu.enqueue_dma source(%arg5 : memref<100000xf32, #tpu.memory_space<vmem>>) target(%dma_start3A_13 : memref<100000xf32, #tpu.memory_space<hbm>>) target_semaphore(%arg7 : memref<!tpu.dma_semaphore, #tpu.memory_space<semaphore_mem>>)
    %broadcast_in_dim3A = arith.constant 0xFF800000 : f32
    %broadcast_in_dim3A_14 = vector.broadcast %broadcast_in_dim3A : f32 to vector<16xf32>
    %scan3A = arith.constant 0 : i32
    %scan3A_15 = arith.constant 3125 : i32
    %scan3A_16 = arith.addi %scan3A, %scan3A_15 : i32
    %scan3A_17 = arith.constant 25 : i32
    %scan3A_18:4 = scf.for %scan3A_310 = %scan3A to %scan3A_16 step %scan3A_17 iter_args(%scan3A_311 = %broadcast_in_dim3A_14, %scan3A_312 = %iota3A, %scan3A_313 = %broadcast_in_dim3A_14, %scan3A_314 = %iota3A) -> (vector<16xf32>, vector<16xi32>, vector<16xf32>, vector<16xi32>)  : i32 {
      %mul3A_315 = arith.constant 16 : i32
      %mul3A_316 = arith.muli %scan3A_310, %mul3A_315 : i32
      %add3A_317 = vector.broadcast %mul3A_316 : i32 to vector<16xi32>
      %add3A_318 = arith.addi %iota3A, %add3A_317 : vector<16xi32>
      %mul3A_319 = arith.constant 16 : i32
      %mul3A_320 = arith.muli %scan3A_310, %mul3A_319 : i32
      %get3A = arith.index_cast %mul3A_320 : i32 to index
      %get3A_321 = tpu.vector_load %arg5[%get3A] {strides = array<i32>} : memref<100000xf32, #tpu.memory_space<vmem>>, vector<16xf32>,
      %get3A_322 = vector.shape_cast %get3A_321 : vector<16xf32> to vector<16xf32>
      %mul3A_323 = arith.constant 16 : i32
      %mul3A_324 = arith.muli %scan3A_310, %mul3A_323 : i32
      %add3A_325 = arith.constant 50000 : i32
      %add3A_326 = arith.addi %add3A_325, %mul3A_324 : i32
      %get3A_327 = arith.index_cast %add3A_326 : i32 to index
      %get3A_328 = tpu.vector_load %arg5[%get3A_327] {strides = array<i32>} : memref<100000xf32, #tpu.memory_space<vmem>>, vector<16xf32>,
      %get3A_329 = vector.shape_cast %get3A_328 : vector<16xf32> to vector<16xf32>
      %gt3A_330 = arith.cmpf ogt, %get3A_322, %scan3A_311 : vector<16xf32>
      %gt3A_331 = arith.cmpf ogt, %get3A_329, %scan3A_313 : vector<16xf32>
      %select_n3A_332 = arith.select %gt3A_330, %get3A_322, %scan3A_311 : vector<16xi1>, vector<16xf32>
      %select_n3A_333 = arith.select %gt3A_330, %add3A_318, %scan3A_312 : vector<16xi1>, vector<16xi32>
      %select_n3A_334 = arith.select %gt3A_331, %get3A_329, %scan3A_313 : vector<16xi1>, vector<16xf32>
      %select_n3A_335 = arith.select %gt3A_331, %add3A_318, %scan3A_314 : vector<16xi1>, vector<16xi32>
      %scan3A_336 = arith.constant 1 : i32
      %scan3A_337 = arith.addi %scan3A_310, %scan3A_336 : i32
      %mul3A_338 = arith.constant 16 : i32
      %mul3A_339 = arith.muli %scan3A_337, %mul3A_338 : i32
      %add3A_340 = vector.broadcast %mul3A_339 : i32 to vector<16xi32>
      %add3A_341 = arith.addi %iota3A, %add3A_340 : vector<16xi32>
      %mul3A_342 = arith.constant 16 : i32
      %mul3A_343 = arith.muli %scan3A_337, %mul3A_342 : i32
      %get3A_344 = arith.index_cast %mul3A_343 : i32 to index
      %get3A_345 = tpu.vector_load %arg5[%get3A_344] {strides = array<i32>} : memref<100000xf32, #tpu.memory_space<vmem>>, vector<16xf32>,
      %get3A_346 = vector.shape_cast %get3A_345 : vector<16xf32> to vector<16xf32>
      %mul3A_347 = arith.constant 16 : i32
      %mul3A_348 = arith.muli %scan3A_337, %mul3A_347 : i32
      %add3A_349 = arith.constant 50000 : i32
      %add3A_350 = arith.addi %add3A_349, %mul3A_348 : i32
      %get3A_351 = arith.index_cast %add3A_350 : i32 to index
      %get3A_352 = tpu.vector_load %arg5[%get3A_351] {strides = array<i32>} : memref<100000xf32, #tpu.memory_space<vmem>>, vector<16xf32>,
      %get3A_353 = vector.shape_cast %get3A_352 : vector<16xf32> to vector<16xf32>
      %gt3A_354 = arith.cmpf ogt, %get3A_346, %select_n3A_332 : vector<16xf32>
      %gt3A_355 = arith.cmpf ogt, %get3A_353, %select_n3A_334 : vector<16xf32>
      %select_n3A_356 = arith.select %gt3A_354, %get3A_346, %select_n3A_332 : vector<16xi1>, vector<16xf32>
      %select_n3A_357 = arith.select %gt3A_354, %add3A_341, %select_n3A_333 : vector<16xi1>, vector<16xi32>
      %select_n3A_358 = arith.select %gt3A_355, %get3A_353, %select_n3A_334 : vector<16xi1>, vector<16xf32>
      %select_n3A_359 = arith.select %gt3A_355, %add3A_341, %select_n3A_335 : vector<16xi1>, vector<16xi32>
      %scan3A_360 = arith.constant 2 : i32
      %scan3A_361 = arith.addi %scan3A_310, %scan3A_360 : i32
      %mul3A_362 = arith.constant 16 : i32
      %mul3A_363 = arith.muli %scan3A_361, %mul3A_362 : i32
      %add3A_364 = vector.broadcast %mul3A_363 : i32 to vector<16xi32>
      %add3A_365 = arith.addi %iota3A, %add3A_364 : vector<16xi32>
      %mul3A_366 = arith.constant 16 : i32
      %mul3A_367 = arith.muli %scan3A_361, %mul3A_366 : i32
      %get3A_368 = arith.index_cast %mul3A_367 : i32 to index
      %get3A_369 = tpu.vector_load %arg5[%get3A_368] {strides = array<i32>} : memref<100000xf32, #tpu.memory_space<vmem>>, vector<16xf32>,
      %get3A_370 = vector.shape_cast %get3A_369 : vector<16xf32> to vector<16xf32>
      %mul3A_371 = arith.constant 16 : i32
      %mul3A_372 = arith.muli %scan3A_361, %mul3A_371 : i32
      %add3A_373 = arith.constant 50000 : i32
      %add3A_374 = arith.addi %add3A_373, %mul3A_372 : i32
      %get3A_375 = arith.index_cast %add3A_374 : i32 to index
      %get3A_376 = tpu.vector_load %arg5[%get3A_375] {strides = array<i32>} : memref<100000xf32, #tpu.memory_space<vmem>>, vector<16xf32>,
      %get3A_377 = vector.shape_cast %get3A_376 : vector<16xf32> to vector<16xf32>
      %gt3A_378 = arith.cmpf ogt, %get3A_370, %select_n3A_356 : vector<16xf32>
      %gt3A_379 = arith.cmpf ogt, %get3A_377, %select_n3A_358 : vector<16xf32>
      %select_n3A_380 = arith.select %gt3A_378, %get3A_370, %select_n3A_356 : vector<16xi1>, vector<16xf32>
      %select_n3A_381 = arith.select %gt3A_378, %add3A_365, %select_n3A_357 : vector<16xi1>, vector<16xi32>
      %select_n3A_382 = arith.select %gt3A_379, %get3A_377, %select_n3A_358 : vector<16xi1>, vector<16xf32>
      %select_n3A_383 = arith.select %gt3A_379, %add3A_365, %select_n3A_359 : vector<16xi1>, vector<16xi32>
      %scan3A_384 = arith.constant 3 : i32
      %scan3A_385 = arith.addi %scan3A_310, %scan3A_384 : i32
      %mul3A_386 = arith.constant 16 : i32
      %mul3A_387 = arith.muli %scan3A_385, %mul3A_386 : i32
      %add3A_388 = vector.broadcast %mul3A_387 : i32 to vector<16xi32>
      %add3A_389 = arith.addi %iota3A, %add3A_388 : vector<16xi32>
      %mul3A_390 = arith.constant 16 : i32
      %mul3A_391 = arith.muli %scan3A_385, %mul3A_390 : i32
      %get3A_392 = arith.index_cast %mul3A_391 : i32 to index
      %get3A_393 = tpu.vector_load %arg5[%get3A_392] {strides = array<i32>} : memref<100000xf32, #tpu.memory_space<vmem>>, vector<16xf32>,
      %get3A_394 = vector.shape_cast %get3A_393 : vector<16xf32> to vector<16xf32>
      %mul3A_395 = arith.constant 16 : i32
      %mul3A_396 = arith.muli %scan3A_385, %mul3A_395 : i32
      %add3A_397 = arith.constant 50000 : i32
      %add3A_398 = arith.addi %add3A_397, %mul3A_396 : i32
      %get3A_399 = arith.index_cast %add3A_398 : i32 to index
      %get3A_400 = tpu.vector_load %arg5[%get3A_399] {strides = array<i32>} : memref<100000xf32, #tpu.memory_space<vmem>>, vector<16xf32>,
      %get3A_401 = vector.shape_cast %get3A_400 : vector<16xf32> to vector<16xf32>
      %gt3A_402 = arith.cmpf ogt, %get3A_394, %select_n3A_380 : vector<16xf32>
      %gt3A_403 = arith.cmpf ogt, %get3A_401, %select_n3A_382 : vector<16xf32>
      %select_n3A_404 = arith.select %gt3A_402, %get3A_394, %select_n3A_380 : vector<16xi1>, vector<16xf32>
      %select_n3A_405 = arith.select %gt3A_402, %add3A_389, %select_n3A_381 : vector<16xi1>, vector<16xi32>
      %select_n3A_406 = arith.select %gt3A_403, %get3A_401, %select_n3A_382 : vector<16xi1>, vector<16xf32>
      %select_n3A_407 = arith.select %gt3A_403, %add3A_389, %select_n3A_383 : vector<16xi1>, vector<16xi32>
      %scan3A_408 = arith.constant 4 : i32
      %scan3A_409 = arith.addi %scan3A_310, %scan3A_408 : i32
      %mul3A_410 = arith.constant 16 : i32
      %mul3A_411 = arith.muli %scan3A_409, %mul3A_410 : i32
      %add3A_412 = vector.broadcast %mul3A_411 : i32 to vector<16xi32>
      %add3A_413 = arith.addi %iota3A, %add3A_412 : vector<16xi32>
      %mul3A_414 = arith.constant 16 : i32
      %mul3A_415 = arith.muli %scan3A_409, %mul3A_414 : i32
      %get3A_416 = arith.index_cast %mul3A_415 : i32 to index
      %get3A_417 = tpu.vector_load %arg5[%get3A_416] {strides = array<i32>} : memref<100000xf32, #tpu.memory_space<vmem>>, vector<16xf32>,
      %get3A_418 = vector.shape_cast %get3A_417 : vector<16xf32> to vector<16xf32>
      %mul3A_419 = arith.constant 16 : i32
      %mul3A_420 = arith.muli %scan3A_409, %mul3A_419 : i32
      %add3A_421 = arith.constant 50000 : i32
      %add3A_422 = arith.addi %add3A_421, %mul3A_420 : i32
      %get3A_423 = arith.index_cast %add3A_422 : i32 to index
      %get3A_424 = tpu.vector_load %arg5[%get3A_423] {strides = array<i32>} : memref<100000xf32, #tpu.memory_space<vmem>>, vector<16xf32>,
      %get3A_425 = vector.shape_cast %get3A_424 : vector<16xf32> to vector<16xf32>
      %gt3A_426 = arith.cmpf ogt, %get3A_418, %select_n3A_404 : vector<16xf32>
      %gt3A_427 = arith.cmpf ogt, %get3A_425, %select_n3A_406 : vector<16xf32>
      %select_n3A_428 = arith.select %gt3A_426, %get3A_418, %select_n3A_404 : vector<16xi1>, vector<16xf32>
      %select_n3A_429 = arith.select %gt3A_426, %add3A_413, %select_n3A_405 : vector<16xi1>, vector<16xi32>
      %select_n3A_430 = arith.select %gt3A_427, %get3A_425, %select_n3A_406 : vector<16xi1>, vector<16xf32>
      %select_n3A_431 = arith.select %gt3A_427, %add3A_413, %select_n3A_407 : vector<16xi1>, vector<16xi32>
      %scan3A_432 = arith.constant 5 : i32
      %scan3A_433 = arith.addi %scan3A_310, %scan3A_432 : i32
      %mul3A_434 = arith.constant 16 : i32
      %mul3A_435 = arith.muli %scan3A_433, %mul3A_434 : i32
      %add3A_436 = vector.broadcast %mul3A_435 : i32 to vector<16xi32>
      %add3A_437 = arith.addi %iota3A, %add3A_436 : vector<16xi32>
      %mul3A_438 = arith.constant 16 : i32
      %mul3A_439 = arith.muli %scan3A_433, %mul3A_438 : i32
      %get3A_440 = arith.index_cast %mul3A_439 : i32 to index
      %get3A_441 = tpu.vector_load %arg5[%get3A_440] {strides = array<i32>} : memref<100000xf32, #tpu.memory_space<vmem>>, vector<16xf32>,
      %get3A_442 = vector.shape_cast %get3A_441 : vector<16xf32> to vector<16xf32>
      %mul3A_443 = arith.constant 16 : i32
      %mul3A_444 = arith.muli %scan3A_433, %mul3A_443 : i32
      %add3A_445 = arith.constant 50000 : i32
      %add3A_446 = arith.addi %add3A_445, %mul3A_444 : i32
      %get3A_447 = arith.index_cast %add3A_446 : i32 to index
      %get3A_448 = tpu.vector_load %arg5[%get3A_447] {strides = array<i32>} : memref<100000xf32, #tpu.memory_space<vmem>>, vector<16xf32>,
      %get3A_449 = vector.shape_cast %get3A_448 : vector<16xf32> to vector<16xf32>
      %gt3A_450 = arith.cmpf ogt, %get3A_442, %select_n3A_428 : vector<16xf32>
      %gt3A_451 = arith.cmpf ogt, %get3A_449, %select_n3A_430 : vector<16xf32>
      %select_n3A_452 = arith.select %gt3A_450, %get3A_442, %select_n3A_428 : vector<16xi1>, vector<16xf32>
      %select_n3A_453 = arith.select %gt3A_450, %add3A_437, %select_n3A_429 : vector<16xi1>, vector<16xi32>
      %select_n3A_454 = arith.select %gt3A_451, %get3A_449, %select_n3A_430 : vector<16xi1>, vector<16xf32>
      %select_n3A_455 = arith.select %gt3A_451, %add3A_437, %select_n3A_431 : vector<16xi1>, vector<16xi32>
      %scan3A_456 = arith.constant 6 : i32
      %scan3A_457 = arith.addi %scan3A_310, %scan3A_456 : i32
      %mul3A_458 = arith.constant 16 : i32
      %mul3A_459 = arith.muli %scan3A_457, %mul3A_458 : i32
      %add3A_460 = vector.broadcast %mul3A_459 : i32 to vector<16xi32>
      %add3A_461 = arith.addi %iota3A, %add3A_460 : vector<16xi32>
      %mul3A_462 = arith.constant 16 : i32
      %mul3A_463 = arith.muli %scan3A_457, %mul3A_462 : i32
      %get3A_464 = arith.index_cast %mul3A_463 : i32 to index
      %get3A_465 = tpu.vector_load %arg5[%get3A_464] {strides = array<i32>} : memref<100000xf32, #tpu.memory_space<vmem>>, vector<16xf32>,
      %get3A_466 = vector.shape_cast %get3A_465 : vector<16xf32> to vector<16xf32>
      %mul3A_467 = arith.constant 16 : i32
      %mul3A_468 = arith.muli %scan3A_457, %mul3A_467 : i32
      %add3A_469 = arith.constant 50000 : i32
      %add3A_470 = arith.addi %add3A_469, %mul3A_468 : i32
      %get3A_471 = arith.index_cast %add3A_470 : i32 to index
      %get3A_472 = tpu.vector_load %arg5[%get3A_471] {strides = array<i32>} : memref<100000xf32, #tpu.memory_space<vmem>>, vector<16xf32>,
      %get3A_473 = vector.shape_cast %get3A_472 : vector<16xf32> to vector<16xf32>
      %gt3A_474 = arith.cmpf ogt, %get3A_466, %select_n3A_452 : vector<16xf32>
      %gt3A_475 = arith.cmpf ogt, %get3A_473, %select_n3A_454 : vector<16xf32>
      %select_n3A_476 = arith.select %gt3A_474, %get3A_466, %select_n3A_452 : vector<16xi1>, vector<16xf32>
      %select_n3A_477 = arith.select %gt3A_474, %add3A_461, %select_n3A_453 : vector<16xi1>, vector<16xi32>
      %select_n3A_478 = arith.select %gt3A_475, %get3A_473, %select_n3A_454 : vector<16xi1>, vector<16xf32>
      %select_n3A_479 = arith.select %gt3A_475, %add3A_461, %select_n3A_455 : vector<16xi1>, vector<16xi32>
      %scan3A_480 = arith.constant 7 : i32
      %scan3A_481 = arith.addi %scan3A_310, %scan3A_480 : i32
      %mul3A_482 = arith.constant 16 : i32
      %mul3A_483 = arith.muli %scan3A_481, %mul3A_482 : i32
      %add3A_484 = vector.broadcast %mul3A_483 : i32 to vector<16xi32>
      %add3A_485 = arith.addi %iota3A, %add3A_484 : vector<16xi32>
      %mul3A_486 = arith.constant 16 : i32
      %mul3A_487 = arith.muli %scan3A_481, %mul3A_486 : i32
      %get3A_488 = arith.index_cast %mul3A_487 : i32 to index
      %get3A_489 = tpu.vector_load %arg5[%get3A_488] {strides = array<i32>} : memref<100000xf32, #tpu.memory_space<vmem>>, vector<16xf32>,
      %get3A_490 = vector.shape_cast %get3A_489 : vector<16xf32> to vector<16xf32>
      %mul3A_491 = arith.constant 16 : i32
      %mul3A_492 = arith.muli %scan3A_481, %mul3A_491 : i32
      %add3A_493 = arith.constant 50000 : i32
      %add3A_494 = arith.addi %add3A_493, %mul3A_492 : i32
      %get3A_495 = arith.index_cast %add3A_494 : i32 to index
      %get3A_496 = tpu.vector_load %arg5[%get3A_495] {strides = array<i32>} : memref<100000xf32, #tpu.memory_space<vmem>>, vector<16xf32>,
      %get3A_497 = vector.shape_cast %get3A_496 : vector<16xf32> to vector<16xf32>
      %gt3A_498 = arith.cmpf ogt, %get3A_490, %select_n3A_476 : vector<16xf32>
      %gt3A_499 = arith.cmpf ogt, %get3A_497, %select_n3A_478 : vector<16xf32>
      %select_n3A_500 = arith.select %gt3A_498, %get3A_490, %select_n3A_476 : vector<16xi1>, vector<16xf32>
      %select_n3A_501 = arith.select %gt3A_498, %add3A_485, %select_n3A_477 : vector<16xi1>, vector<16xi32>
      %select_n3A_502 = arith.select %gt3A_499, %get3A_497, %select_n3A_478 : vector<16xi1>, vector<16xf32>
      %select_n3A_503 = arith.select %gt3A_499, %add3A_485, %select_n3A_479 : vector<16xi1>, vector<16xi32>
      %scan3A_504 = arith.constant 8 : i32
      %scan3A_505 = arith.addi %scan3A_310, %scan3A_504 : i32
      %mul3A_506 = arith.constant 16 : i32
      %mul3A_507 = arith.muli %scan3A_505, %mul3A_506 : i32
      %add3A_508 = vector.broadcast %mul3A_507 : i32 to vector<16xi32>
      %add3A_509 = arith.addi %iota3A, %add3A_508 : vector<16xi32>
      %mul3A_510 = arith.constant 16 : i32
      %mul3A_511 = arith.muli %scan3A_505, %mul3A_510 : i32
      %get3A_512 = arith.index_cast %mul3A_511 : i32 to index
      %get3A_513 = tpu.vector_load %arg5[%get3A_512] {strides = array<i32>} : memref<100000xf32, #tpu.memory_space<vmem>>, vector<16xf32>,
      %get3A_514 = vector.shape_cast %get3A_513 : vector<16xf32> to vector<16xf32>
      %mul3A_515 = arith.constant 16 : i32
      %mul3A_516 = arith.muli %scan3A_505, %mul3A_515 : i32
      %add3A_517 = arith.constant 50000 : i32
      %add3A_518 = arith.addi %add3A_517, %mul3A_516 : i32
      %get3A_519 = arith.index_cast %add3A_518 : i32 to index
      %get3A_520 = tpu.vector_load %arg5[%get3A_519] {strides = array<i32>} : memref<100000xf32, #tpu.memory_space<vmem>>, vector<16xf32>,
      %get3A_521 = vector.shape_cast %get3A_520 : vector<16xf32> to vector<16xf32>
      %gt3A_522 = arith.cmpf ogt, %get3A_514, %select_n3A_500 : vector<16xf32>
      %gt3A_523 = arith.cmpf ogt, %get3A_521, %select_n3A_502 : vector<16xf32>
      %select_n3A_524 = arith.select %gt3A_522, %get3A_514, %select_n3A_500 : vector<16xi1>, vector<16xf32>
      %select_n3A_525 = arith.select %gt3A_522, %add3A_509, %select_n3A_501 : vector<16xi1>, vector<16xi32>
      %select_n3A_526 = arith.select %gt3A_523, %get3A_521, %select_n3A_502 : vector<16xi1>, vector<16xf32>
      %select_n3A_527 = arith.select %gt3A_523, %add3A_509, %select_n3A_503 : vector<16xi1>, vector<16xi32>
      %scan3A_528 = arith.constant 9 : i32
      %scan3A_529 = arith.addi %scan3A_310, %scan3A_528 : i32
      %mul3A_530 = arith.constant 16 : i32
      %mul3A_531 = arith.muli %scan3A_529, %mul3A_530 : i32
      %add3A_532 = vector.broadcast %mul3A_531 : i32 to vector<16xi32>
      %add3A_533 = arith.addi %iota3A, %add3A_532 : vector<16xi32>
      %mul3A_534 = arith.constant 16 : i32
      %mul3A_535 = arith.muli %scan3A_529, %mul3A_534 : i32
      %get3A_536 = arith.index_cast %mul3A_535 : i32 to index
      %get3A_537 = tpu.vector_load %arg5[%get3A_536] {strides = array<i32>} : memref<100000xf32, #tpu.memory_space<vmem>>, vector<16xf32>,
      %get3A_538 = vector.shape_cast %get3A_537 : vector<16xf32> to vector<16xf32>
      %mul3A_539 = arith.constant 16 : i32
      %mul3A_540 = arith.muli %scan3A_529, %mul3A_539 : i32
      %add3A_541 = arith.constant 50000 : i32
      %add3A_542 = arith.addi %add3A_541, %mul3A_540 : i32
      %get3A_543 = arith.index_cast %add3A_542 : i32 to index
      %get3A_544 = tpu.vector_load %arg5[%get3A_543] {strides = array<i32>} : memref<100000xf32, #tpu.memory_space<vmem>>, vector<16xf32>,
      %get3A_545 = vector.shape_cast %get3A_544 : vector<16xf32> to vector<16xf32>
      %gt3A_546 = arith.cmpf ogt, %get3A_538, %select_n3A_524 : vector<16xf32>
      %gt3A_547 = arith.cmpf ogt, %get3A_545, %select_n3A_526 : vector<16xf32>
      %select_n3A_548 = arith.select %gt3A_546, %get3A_538, %select_n3A_524 : vector<16xi1>, vector<16xf32>
      %select_n3A_549 = arith.select %gt3A_546, %add3A_533, %select_n3A_525 : vector<16xi1>, vector<16xi32>
      %select_n3A_550 = arith.select %gt3A_547, %get3A_545, %select_n3A_526 : vector<16xi1>, vector<16xf32>
      %select_n3A_551 = arith.select %gt3A_547, %add3A_533, %select_n3A_527 : vector<16xi1>, vector<16xi32>
      %scan3A_552 = arith.constant 10 : i32
      %scan3A_553 = arith.addi %scan3A_310, %scan3A_552 : i32
      %mul3A_554 = arith.constant 16 : i32
      %mul3A_555 = arith.muli %scan3A_553, %mul3A_554 : i32
      %add3A_556 = vector.broadcast %mul3A_555 : i32 to vector<16xi32>
      %add3A_557 = arith.addi %iota3A, %add3A_556 : vector<16xi32>
      %mul3A_558 = arith.constant 16 : i32
      %mul3A_559 = arith.muli %scan3A_553, %mul3A_558 : i32
      %get3A_560 = arith.index_cast %mul3A_559 : i32 to index
      %get3A_561 = tpu.vector_load %arg5[%get3A_560] {strides = array<i32>} : memref<100000xf32, #tpu.memory_space<vmem>>, vector<16xf32>,
      %get3A_562 = vector.shape_cast %get3A_561 : vector<16xf32> to vector<16xf32>
      %mul3A_563 = arith.constant 16 : i32
      %mul3A_564 = arith.muli %scan3A_553, %mul3A_563 : i32
      %add3A_565 = arith.constant 50000 : i32
      %add3A_566 = arith.addi %add3A_565, %mul3A_564 : i32
      %get3A_567 = arith.index_cast %add3A_566 : i32 to index
      %get3A_568 = tpu.vector_load %arg5[%get3A_567] {strides = array<i32>} : memref<100000xf32, #tpu.memory_space<vmem>>, vector<16xf32>,
      %get3A_569 = vector.shape_cast %get3A_568 : vector<16xf32> to vector<16xf32>
      %gt3A_570 = arith.cmpf ogt, %get3A_562, %select_n3A_548 : vector<16xf32>
      %gt3A_571 = arith.cmpf ogt, %get3A_569, %select_n3A_550 : vector<16xf32>
      %select_n3A_572 = arith.select %gt3A_570, %get3A_562, %select_n3A_548 : vector<16xi1>, vector<16xf32>
      %select_n3A_573 = arith.select %gt3A_570, %add3A_557, %select_n3A_549 : vector<16xi1>, vector<16xi32>
      %select_n3A_574 = arith.select %gt3A_571, %get3A_569, %select_n3A_550 : vector<16xi1>, vector<16xf32>
      %select_n3A_575 = arith.select %gt3A_571, %add3A_557, %select_n3A_551 : vector<16xi1>, vector<16xi32>
      %scan3A_576 = arith.constant 11 : i32
      %scan3A_577 = arith.addi %scan3A_310, %scan3A_576 : i32
      %mul3A_578 = arith.constant 16 : i32
      %mul3A_579 = arith.muli %scan3A_577, %mul3A_578 : i32
      %add3A_580 = vector.broadcast %mul3A_579 : i32 to vector<16xi32>
      %add3A_581 = arith.addi %iota3A, %add3A_580 : vector<16xi32>
      %mul3A_582 = arith.constant 16 : i32
      %mul3A_583 = arith.muli %scan3A_577, %mul3A_582 : i32
      %get3A_584 = arith.index_cast %mul3A_583 : i32 to index
      %get3A_585 = tpu.vector_load %arg5[%get3A_584] {strides = array<i32>} : memref<100000xf32, #tpu.memory_space<vmem>>, vector<16xf32>,
      %get3A_586 = vector.shape_cast %get3A_585 : vector<16xf32> to vector<16xf32>
      %mul3A_587 = arith.constant 16 : i32
      %mul3A_588 = arith.muli %scan3A_577, %mul3A_587 : i32
      %add3A_589 = arith.constant 50000 : i32
      %add3A_590 = arith.addi %add3A_589, %mul3A_588 : i32
      %get3A_591 = arith.index_cast %add3A_590 : i32 to index
      %get3A_592 = tpu.vector_load %arg5[%get3A_591] {strides = array<i32>} : memref<100000xf32, #tpu.memory_space<vmem>>, vector<16xf32>,
      %get3A_593 = vector.shape_cast %get3A_592 : vector<16xf32> to vector<16xf32>
      %gt3A_594 = arith.cmpf ogt, %get3A_586, %select_n3A_572 : vector<16xf32>
      %gt3A_595 = arith.cmpf ogt, %get3A_593, %select_n3A_574 : vector<16xf32>
      %select_n3A_596 = arith.select %gt3A_594, %get3A_586, %select_n3A_572 : vector<16xi1>, vector<16xf32>
      %select_n3A_597 = arith.select %gt3A_594, %add3A_581, %select_n3A_573 : vector<16xi1>, vector<16xi32>
      %select_n3A_598 = arith.select %gt3A_595, %get3A_593, %select_n3A_574 : vector<16xi1>, vector<16xf32>
      %select_n3A_599 = arith.select %gt3A_595, %add3A_581, %select_n3A_575 : vector<16xi1>, vector<16xi32>
      %scan3A_600 = arith.constant 12 : i32
      %scan3A_601 = arith.addi %scan3A_310, %scan3A_600 : i32
      %mul3A_602 = arith.constant 16 : i32
      %mul3A_603 = arith.muli %scan3A_601, %mul3A_602 : i32
      %add3A_604 = vector.broadcast %mul3A_603 : i32 to vector<16xi32>
      %add3A_605 = arith.addi %iota3A, %add3A_604 : vector<16xi32>
      %mul3A_606 = arith.constant 16 : i32
      %mul3A_607 = arith.muli %scan3A_601, %mul3A_606 : i32
      %get3A_608 = arith.index_cast %mul3A_607 : i32 to index
      %get3A_609 = tpu.vector_load %arg5[%get3A_608] {strides = array<i32>} : memref<100000xf32, #tpu.memory_space<vmem>>, vector<16xf32>,
      %get3A_610 = vector.shape_cast %get3A_609 : vector<16xf32> to vector<16xf32>
      %mul3A_611 = arith.constant 16 : i32
      %mul3A_612 = arith.muli %scan3A_601, %mul3A_611 : i32
      %add3A_613 = arith.constant 50000 : i32
      %add3A_614 = arith.addi %add3A_613, %mul3A_612 : i32
      %get3A_615 = arith.index_cast %add3A_614 : i32 to index
      %get3A_616 = tpu.vector_load %arg5[%get3A_615] {strides = array<i32>} : memref<100000xf32, #tpu.memory_space<vmem>>, vector<16xf32>,
      %get3A_617 = vector.shape_cast %get3A_616 : vector<16xf32> to vector<16xf32>
      %gt3A_618 = arith.cmpf ogt, %get3A_610, %select_n3A_596 : vector<16xf32>
      %gt3A_619 = arith.cmpf ogt, %get3A_617, %select_n3A_598 : vector<16xf32>
      %select_n3A_620 = arith.select %gt3A_618, %get3A_610, %select_n3A_596 : vector<16xi1>, vector<16xf32>
      %select_n3A_621 = arith.select %gt3A_618, %add3A_605, %select_n3A_597 : vector<16xi1>, vector<16xi32>
      %select_n3A_622 = arith.select %gt3A_619, %get3A_617, %select_n3A_598 : vector<16xi1>, vector<16xf32>
      %select_n3A_623 = arith.select %gt3A_619, %add3A_605, %select_n3A_599 : vector<16xi1>, vector<16xi32>
      %scan3A_624 = arith.constant 13 : i32
      %scan3A_625 = arith.addi %scan3A_310, %scan3A_624 : i32
      %mul3A_626 = arith.constant 16 : i32
      %mul3A_627 = arith.muli %scan3A_625, %mul3A_626 : i32
      %add3A_628 = vector.broadcast %mul3A_627 : i32 to vector<16xi32>
      %add3A_629 = arith.addi %iota3A, %add3A_628 : vector<16xi32>
      %mul3A_630 = arith.constant 16 : i32
      %mul3A_631 = arith.muli %scan3A_625, %mul3A_630 : i32
      %get3A_632 = arith.index_cast %mul3A_631 : i32 to index
      %get3A_633 = tpu.vector_load %arg5[%get3A_632] {strides = array<i32>} : memref<100000xf32, #tpu.memory_space<vmem>>, vector<16xf32>,
      %get3A_634 = vector.shape_cast %get3A_633 : vector<16xf32> to vector<16xf32>
      %mul3A_635 = arith.constant 16 : i32
      %mul3A_636 = arith.muli %scan3A_625, %mul3A_635 : i32
      %add3A_637 = arith.constant 50000 : i32
      %add3A_638 = arith.addi %add3A_637, %mul3A_636 : i32
      %get3A_639 = arith.index_cast %add3A_638 : i32 to index
      %get3A_640 = tpu.vector_load %arg5[%get3A_639] {strides = array<i32>} : memref<100000xf32, #tpu.memory_space<vmem>>, vector<16xf32>,
      %get3A_641 = vector.shape_cast %get3A_640 : vector<16xf32> to vector<16xf32>
      %gt3A_642 = arith.cmpf ogt, %get3A_634, %select_n3A_620 : vector<16xf32>
      %gt3A_643 = arith.cmpf ogt, %get3A_641, %select_n3A_622 : vector<16xf32>
      %select_n3A_644 = arith.select %gt3A_642, %get3A_634, %select_n3A_620 : vector<16xi1>, vector<16xf32>
      %select_n3A_645 = arith.select %gt3A_642, %add3A_629, %select_n3A_621 : vector<16xi1>, vector<16xi32>
      %select_n3A_646 = arith.select %gt3A_643, %get3A_641, %select_n3A_622 : vector<16xi1>, vector<16xf32>
      %select_n3A_647 = arith.select %gt3A_643, %add3A_629, %select_n3A_623 : vector<16xi1>, vector<16xi32>
      %scan3A_648 = arith.constant 14 : i32
      %scan3A_649 = arith.addi %scan3A_310, %scan3A_648 : i32
      %mul3A_650 = arith.constant 16 : i32
      %mul3A_651 = arith.muli %scan3A_649, %mul3A_650 : i32
      %add3A_652 = vector.broadcast %mul3A_651 : i32 to vector<16xi32>
      %add3A_653 = arith.addi %iota3A, %add3A_652 : vector<16xi32>
      %mul3A_654 = arith.constant 16 : i32
      %mul3A_655 = arith.muli %scan3A_649, %mul3A_654 : i32
      %get3A_656 = arith.index_cast %mul3A_655 : i32 to index
      %get3A_657 = tpu.vector_load %arg5[%get3A_656] {strides = array<i32>} : memref<100000xf32, #tpu.memory_space<vmem>>, vector<16xf32>,
      %get3A_658 = vector.shape_cast %get3A_657 : vector<16xf32> to vector<16xf32>
      %mul3A_659 = arith.constant 16 : i32
      %mul3A_660 = arith.muli %scan3A_649, %mul3A_659 : i32
      %add3A_661 = arith.constant 50000 : i32
      %add3A_662 = arith.addi %add3A_661, %mul3A_660 : i32
      %get3A_663 = arith.index_cast %add3A_662 : i32 to index
      %get3A_664 = tpu.vector_load %arg5[%get3A_663] {strides = array<i32>} : memref<100000xf32, #tpu.memory_space<vmem>>, vector<16xf32>,
      %get3A_665 = vector.shape_cast %get3A_664 : vector<16xf32> to vector<16xf32>
      %gt3A_666 = arith.cmpf ogt, %get3A_658, %select_n3A_644 : vector<16xf32>
      %gt3A_667 = arith.cmpf ogt, %get3A_665, %select_n3A_646 : vector<16xf32>
      %select_n3A_668 = arith.select %gt3A_666, %get3A_658, %select_n3A_644 : vector<16xi1>, vector<16xf32>
      %select_n3A_669 = arith.select %gt3A_666, %add3A_653, %select_n3A_645 : vector<16xi1>, vector<16xi32>
      %select_n3A_670 = arith.select %gt3A_667, %get3A_665, %select_n3A_646 : vector<16xi1>, vector<16xf32>
      %select_n3A_671 = arith.select %gt3A_667, %add3A_653, %select_n3A_647 : vector<16xi1>, vector<16xi32>
      %scan3A_672 = arith.constant 15 : i32
      %scan3A_673 = arith.addi %scan3A_310, %scan3A_672 : i32
      %mul3A_674 = arith.constant 16 : i32
      %mul3A_675 = arith.muli %scan3A_673, %mul3A_674 : i32
      %add3A_676 = vector.broadcast %mul3A_675 : i32 to vector<16xi32>
      %add3A_677 = arith.addi %iota3A, %add3A_676 : vector<16xi32>
      %mul3A_678 = arith.constant 16 : i32
      %mul3A_679 = arith.muli %scan3A_673, %mul3A_678 : i32
      %get3A_680 = arith.index_cast %mul3A_679 : i32 to index
      %get3A_681 = tpu.vector_load %arg5[%get3A_680] {strides = array<i32>} : memref<100000xf32, #tpu.memory_space<vmem>>, vector<16xf32>,
      %get3A_682 = vector.shape_cast %get3A_681 : vector<16xf32> to vector<16xf32>
      %mul3A_683 = arith.constant 16 : i32
      %mul3A_684 = arith.muli %scan3A_673, %mul3A_683 : i32
      %add3A_685 = arith.constant 50000 : i32
      %add3A_686 = arith.addi %add3A_685, %mul3A_684 : i32
      %get3A_687 = arith.index_cast %add3A_686 : i32 to index
      %get3A_688 = tpu.vector_load %arg5[%get3A_687] {strides = array<i32>} : memref<100000xf32, #tpu.memory_space<vmem>>, vector<16xf32>,
      %get3A_689 = vector.shape_cast %get3A_688 : vector<16xf32> to vector<16xf32>
      %gt3A_690 = arith.cmpf ogt, %get3A_682, %select_n3A_668 : vector<16xf32>
      %gt3A_691 = arith.cmpf ogt, %get3A_689, %select_n3A_670 : vector<16xf32>
      %select_n3A_692 = arith.select %gt3A_690, %get3A_682, %select_n3A_668 : vector<16xi1>, vector<16xf32>
      %select_n3A_693 = arith.select %gt3A_690, %add3A_677, %select_n3A_669 : vector<16xi1>, vector<16xi32>
      %select_n3A_694 = arith.select %gt3A_691, %get3A_689, %select_n3A_670 : vector<16xi1>, vector<16xf32>
      %select_n3A_695 = arith.select %gt3A_691, %add3A_677, %select_n3A_671 : vector<16xi1>, vector<16xi32>
      %scan3A_696 = arith.constant 16 : i32
      %scan3A_697 = arith.addi %scan3A_310, %scan3A_696 : i32
      %mul3A_698 = arith.constant 16 : i32
      %mul3A_699 = arith.muli %scan3A_697, %mul3A_698 : i32
      %add3A_700 = vector.broadcast %mul3A_699 : i32 to vector<16xi32>
      %add3A_701 = arith.addi %iota3A, %add3A_700 : vector<16xi32>
      %mul3A_702 = arith.constant 16 : i32
      %mul3A_703 = arith.muli %scan3A_697, %mul3A_702 : i32
      %get3A_704 = arith.index_cast %mul3A_703 : i32 to index
      %get3A_705 = tpu.vector_load %arg5[%get3A_704] {strides = array<i32>} : memref<100000xf32, #tpu.memory_space<vmem>>, vector<16xf32>,
      %get3A_706 = vector.shape_cast %get3A_705 : vector<16xf32> to vector<16xf32>
      %mul3A_707 = arith.constant 16 : i32
      %mul3A_708 = arith.muli %scan3A_697, %mul3A_707 : i32
      %add3A_709 = arith.constant 50000 : i32
      %add3A_710 = arith.addi %add3A_709, %mul3A_708 : i32
      %get3A_711 = arith.index_cast %add3A_710 : i32 to index
      %get3A_712 = tpu.vector_load %arg5[%get3A_711] {strides = array<i32>} : memref<100000xf32, #tpu.memory_space<vmem>>, vector<16xf32>,
      %get3A_713 = vector.shape_cast %get3A_712 : vector<16xf32> to vector<16xf32>
      %gt3A_714 = arith.cmpf ogt, %get3A_706, %select_n3A_692 : vector<16xf32>
      %gt3A_715 = arith.cmpf ogt, %get3A_713, %select_n3A_694 : vector<16xf32>
      %select_n3A_716 = arith.select %gt3A_714, %get3A_706, %select_n3A_692 : vector<16xi1>, vector<16xf32>
      %select_n3A_717 = arith.select %gt3A_714, %add3A_701, %select_n3A_693 : vector<16xi1>, vector<16xi32>
      %select_n3A_718 = arith.select %gt3A_715, %get3A_713, %select_n3A_694 : vector<16xi1>, vector<16xf32>
      %select_n3A_719 = arith.select %gt3A_715, %add3A_701, %select_n3A_695 : vector<16xi1>, vector<16xi32>
      %scan3A_720 = arith.constant 17 : i32
      %scan3A_721 = arith.addi %scan3A_310, %scan3A_720 : i32
      %mul3A_722 = arith.constant 16 : i32
      %mul3A_723 = arith.muli %scan3A_721, %mul3A_722 : i32
      %add3A_724 = vector.broadcast %mul3A_723 : i32 to vector<16xi32>
      %add3A_725 = arith.addi %iota3A, %add3A_724 : vector<16xi32>
      %mul3A_726 = arith.constant 16 : i32
      %mul3A_727 = arith.muli %scan3A_721, %mul3A_726 : i32
      %get3A_728 = arith.index_cast %mul3A_727 : i32 to index
      %get3A_729 = tpu.vector_load %arg5[%get3A_728] {strides = array<i32>} : memref<100000xf32, #tpu.memory_space<vmem>>, vector<16xf32>,
      %get3A_730 = vector.shape_cast %get3A_729 : vector<16xf32> to vector<16xf32>
      %mul3A_731 = arith.constant 16 : i32
      %mul3A_732 = arith.muli %scan3A_721, %mul3A_731 : i32
      %add3A_733 = arith.constant 50000 : i32
      %add3A_734 = arith.addi %add3A_733, %mul3A_732 : i32
      %get3A_735 = arith.index_cast %add3A_734 : i32 to index
      %get3A_736 = tpu.vector_load %arg5[%get3A_735] {strides = array<i32>} : memref<100000xf32, #tpu.memory_space<vmem>>, vector<16xf32>,
      %get3A_737 = vector.shape_cast %get3A_736 : vector<16xf32> to vector<16xf32>
      %gt3A_738 = arith.cmpf ogt, %get3A_730, %select_n3A_716 : vector<16xf32>
      %gt3A_739 = arith.cmpf ogt, %get3A_737, %select_n3A_718 : vector<16xf32>
      %select_n3A_740 = arith.select %gt3A_738, %get3A_730, %select_n3A_716 : vector<16xi1>, vector<16xf32>
      %select_n3A_741 = arith.select %gt3A_738, %add3A_725, %select_n3A_717 : vector<16xi1>, vector<16xi32>
      %select_n3A_742 = arith.select %gt3A_739, %get3A_737, %select_n3A_718 : vector<16xi1>, vector<16xf32>
      %select_n3A_743 = arith.select %gt3A_739, %add3A_725, %select_n3A_719 : vector<16xi1>, vector<16xi32>
      %scan3A_744 = arith.constant 18 : i32
      %scan3A_745 = arith.addi %scan3A_310, %scan3A_744 : i32
      %mul3A_746 = arith.constant 16 : i32
      %mul3A_747 = arith.muli %scan3A_745, %mul3A_746 : i32
      %add3A_748 = vector.broadcast %mul3A_747 : i32 to vector<16xi32>
      %add3A_749 = arith.addi %iota3A, %add3A_748 : vector<16xi32>
      %mul3A_750 = arith.constant 16 : i32
      %mul3A_751 = arith.muli %scan3A_745, %mul3A_750 : i32
      %get3A_752 = arith.index_cast %mul3A_751 : i32 to index
      %get3A_753 = tpu.vector_load %arg5[%get3A_752] {strides = array<i32>} : memref<100000xf32, #tpu.memory_space<vmem>>, vector<16xf32>,
      %get3A_754 = vector.shape_cast %get3A_753 : vector<16xf32> to vector<16xf32>
      %mul3A_755 = arith.constant 16 : i32
      %mul3A_756 = arith.muli %scan3A_745, %mul3A_755 : i32
      %add3A_757 = arith.constant 50000 : i32
      %add3A_758 = arith.addi %add3A_757, %mul3A_756 : i32
      %get3A_759 = arith.index_cast %add3A_758 : i32 to index
      %get3A_760 = tpu.vector_load %arg5[%get3A_759] {strides = array<i32>} : memref<100000xf32, #tpu.memory_space<vmem>>, vector<16xf32>,
      %get3A_761 = vector.shape_cast %get3A_760 : vector<16xf32> to vector<16xf32>
      %gt3A_762 = arith.cmpf ogt, %get3A_754, %select_n3A_740 : vector<16xf32>
      %gt3A_763 = arith.cmpf ogt, %get3A_761, %select_n3A_742 : vector<16xf32>
      %select_n3A_764 = arith.select %gt3A_762, %get3A_754, %select_n3A_740 : vector<16xi1>, vector<16xf32>
      %select_n3A_765 = arith.select %gt3A_762, %add3A_749, %select_n3A_741 : vector<16xi1>, vector<16xi32>
      %select_n3A_766 = arith.select %gt3A_763, %get3A_761, %select_n3A_742 : vector<16xi1>, vector<16xf32>
      %select_n3A_767 = arith.select %gt3A_763, %add3A_749, %select_n3A_743 : vector<16xi1>, vector<16xi32>
      %scan3A_768 = arith.constant 19 : i32
      %scan3A_769 = arith.addi %scan3A_310, %scan3A_768 : i32
      %mul3A_770 = arith.constant 16 : i32
      %mul3A_771 = arith.muli %scan3A_769, %mul3A_770 : i32
      %add3A_772 = vector.broadcast %mul3A_771 : i32 to vector<16xi32>
      %add3A_773 = arith.addi %iota3A, %add3A_772 : vector<16xi32>
      %mul3A_774 = arith.constant 16 : i32
      %mul3A_775 = arith.muli %scan3A_769, %mul3A_774 : i32
      %get3A_776 = arith.index_cast %mul3A_775 : i32 to index
      %get3A_777 = tpu.vector_load %arg5[%get3A_776] {strides = array<i32>} : memref<100000xf32, #tpu.memory_space<vmem>>, vector<16xf32>,
      %get3A_778 = vector.shape_cast %get3A_777 : vector<16xf32> to vector<16xf32>
      %mul3A_779 = arith.constant 16 : i32
      %mul3A_780 = arith.muli %scan3A_769, %mul3A_779 : i32
      %add3A_781 = arith.constant 50000 : i32
      %add3A_782 = arith.addi %add3A_781, %mul3A_780 : i32
      %get3A_783 = arith.index_cast %add3A_782 : i32 to index
      %get3A_784 = tpu.vector_load %arg5[%get3A_783] {strides = array<i32>} : memref<100000xf32, #tpu.memory_space<vmem>>, vector<16xf32>,
      %get3A_785 = vector.shape_cast %get3A_784 : vector<16xf32> to vector<16xf32>
      %gt3A_786 = arith.cmpf ogt, %get3A_778, %select_n3A_764 : vector<16xf32>
      %gt3A_787 = arith.cmpf ogt, %get3A_785, %select_n3A_766 : vector<16xf32>
      %select_n3A_788 = arith.select %gt3A_786, %get3A_778, %select_n3A_764 : vector<16xi1>, vector<16xf32>
      %select_n3A_789 = arith.select %gt3A_786, %add3A_773, %select_n3A_765 : vector<16xi1>, vector<16xi32>
      %select_n3A_790 = arith.select %gt3A_787, %get3A_785, %select_n3A_766 : vector<16xi1>, vector<16xf32>
      %select_n3A_791 = arith.select %gt3A_787, %add3A_773, %select_n3A_767 : vector<16xi1>, vector<16xi32>
      %scan3A_792 = arith.constant 20 : i32
      %scan3A_793 = arith.addi %scan3A_310, %scan3A_792 : i32
      %mul3A_794 = arith.constant 16 : i32
      %mul3A_795 = arith.muli %scan3A_793, %mul3A_794 : i32
      %add3A_796 = vector.broadcast %mul3A_795 : i32 to vector<16xi32>
      %add3A_797 = arith.addi %iota3A, %add3A_796 : vector<16xi32>
      %mul3A_798 = arith.constant 16 : i32
      %mul3A_799 = arith.muli %scan3A_793, %mul3A_798 : i32
      %get3A_800 = arith.index_cast %mul3A_799 : i32 to index
      %get3A_801 = tpu.vector_load %arg5[%get3A_800] {strides = array<i32>} : memref<100000xf32, #tpu.memory_space<vmem>>, vector<16xf32>,
      %get3A_802 = vector.shape_cast %get3A_801 : vector<16xf32> to vector<16xf32>
      %mul3A_803 = arith.constant 16 : i32
      %mul3A_804 = arith.muli %scan3A_793, %mul3A_803 : i32
      %add3A_805 = arith.constant 50000 : i32
      %add3A_806 = arith.addi %add3A_805, %mul3A_804 : i32
      %get3A_807 = arith.index_cast %add3A_806 : i32 to index
      %get3A_808 = tpu.vector_load %arg5[%get3A_807] {strides = array<i32>} : memref<100000xf32, #tpu.memory_space<vmem>>, vector<16xf32>,
      %get3A_809 = vector.shape_cast %get3A_808 : vector<16xf32> to vector<16xf32>
      %gt3A_810 = arith.cmpf ogt, %get3A_802, %select_n3A_788 : vector<16xf32>
      %gt3A_811 = arith.cmpf ogt, %get3A_809, %select_n3A_790 : vector<16xf32>
      %select_n3A_812 = arith.select %gt3A_810, %get3A_802, %select_n3A_788 : vector<16xi1>, vector<16xf32>
      %select_n3A_813 = arith.select %gt3A_810, %add3A_797, %select_n3A_789 : vector<16xi1>, vector<16xi32>
      %select_n3A_814 = arith.select %gt3A_811, %get3A_809, %select_n3A_790 : vector<16xi1>, vector<16xf32>
      %select_n3A_815 = arith.select %gt3A_811, %add3A_797, %select_n3A_791 : vector<16xi1>, vector<16xi32>
      %scan3A_816 = arith.constant 21 : i32
      %scan3A_817 = arith.addi %scan3A_310, %scan3A_816 : i32
      %mul3A_818 = arith.constant 16 : i32
      %mul3A_819 = arith.muli %scan3A_817, %mul3A_818 : i32
      %add3A_820 = vector.broadcast %mul3A_819 : i32 to vector<16xi32>
      %add3A_821 = arith.addi %iota3A, %add3A_820 : vector<16xi32>
      %mul3A_822 = arith.constant 16 : i32
      %mul3A_823 = arith.muli %scan3A_817, %mul3A_822 : i32
      %get3A_824 = arith.index_cast %mul3A_823 : i32 to index
      %get3A_825 = tpu.vector_load %arg5[%get3A_824] {strides = array<i32>} : memref<100000xf32, #tpu.memory_space<vmem>>, vector<16xf32>,
      %get3A_826 = vector.shape_cast %get3A_825 : vector<16xf32> to vector<16xf32>
      %mul3A_827 = arith.constant 16 : i32
      %mul3A_828 = arith.muli %scan3A_817, %mul3A_827 : i32
      %add3A_829 = arith.constant 50000 : i32
      %add3A_830 = arith.addi %add3A_829, %mul3A_828 : i32
      %get3A_831 = arith.index_cast %add3A_830 : i32 to index
      %get3A_832 = tpu.vector_load %arg5[%get3A_831] {strides = array<i32>} : memref<100000xf32, #tpu.memory_space<vmem>>, vector<16xf32>,
      %get3A_833 = vector.shape_cast %get3A_832 : vector<16xf32> to vector<16xf32>
      %gt3A_834 = arith.cmpf ogt, %get3A_826, %select_n3A_812 : vector<16xf32>
      %gt3A_835 = arith.cmpf ogt, %get3A_833, %select_n3A_814 : vector<16xf32>
      %select_n3A_836 = arith.select %gt3A_834, %get3A_826, %select_n3A_812 : vector<16xi1>, vector<16xf32>
      %select_n3A_837 = arith.select %gt3A_834, %add3A_821, %select_n3A_813 : vector<16xi1>, vector<16xi32>
      %select_n3A_838 = arith.select %gt3A_835, %get3A_833, %select_n3A_814 : vector<16xi1>, vector<16xf32>
      %select_n3A_839 = arith.select %gt3A_835, %add3A_821, %select_n3A_815 : vector<16xi1>, vector<16xi32>
      %scan3A_840 = arith.constant 22 : i32
      %scan3A_841 = arith.addi %scan3A_310, %scan3A_840 : i32
      %mul3A_842 = arith.constant 16 : i32
      %mul3A_843 = arith.muli %scan3A_841, %mul3A_842 : i32
      %add3A_844 = vector.broadcast %mul3A_843 : i32 to vector<16xi32>
      %add3A_845 = arith.addi %iota3A, %add3A_844 : vector<16xi32>
      %mul3A_846 = arith.constant 16 : i32
      %mul3A_847 = arith.muli %scan3A_841, %mul3A_846 : i32
      %get3A_848 = arith.index_cast %mul3A_847 : i32 to index
      %get3A_849 = tpu.vector_load %arg5[%get3A_848] {strides = array<i32>} : memref<100000xf32, #tpu.memory_space<vmem>>, vector<16xf32>,
      %get3A_850 = vector.shape_cast %get3A_849 : vector<16xf32> to vector<16xf32>
      %mul3A_851 = arith.constant 16 : i32
      %mul3A_852 = arith.muli %scan3A_841, %mul3A_851 : i32
      %add3A_853 = arith.constant 50000 : i32
      %add3A_854 = arith.addi %add3A_853, %mul3A_852 : i32
      %get3A_855 = arith.index_cast %add3A_854 : i32 to index
      %get3A_856 = tpu.vector_load %arg5[%get3A_855] {strides = array<i32>} : memref<100000xf32, #tpu.memory_space<vmem>>, vector<16xf32>,
      %get3A_857 = vector.shape_cast %get3A_856 : vector<16xf32> to vector<16xf32>
      %gt3A_858 = arith.cmpf ogt, %get3A_850, %select_n3A_836 : vector<16xf32>
      %gt3A_859 = arith.cmpf ogt, %get3A_857, %select_n3A_838 : vector<16xf32>
      %select_n3A_860 = arith.select %gt3A_858, %get3A_850, %select_n3A_836 : vector<16xi1>, vector<16xf32>
      %select_n3A_861 = arith.select %gt3A_858, %add3A_845, %select_n3A_837 : vector<16xi1>, vector<16xi32>
      %select_n3A_862 = arith.select %gt3A_859, %get3A_857, %select_n3A_838 : vector<16xi1>, vector<16xf32>
      %select_n3A_863 = arith.select %gt3A_859, %add3A_845, %select_n3A_839 : vector<16xi1>, vector<16xi32>
      %scan3A_864 = arith.constant 23 : i32
      %scan3A_865 = arith.addi %scan3A_310, %scan3A_864 : i32
      %mul3A_866 = arith.constant 16 : i32
      %mul3A_867 = arith.muli %scan3A_865, %mul3A_866 : i32
      %add3A_868 = vector.broadcast %mul3A_867 : i32 to vector<16xi32>
      %add3A_869 = arith.addi %iota3A, %add3A_868 : vector<16xi32>
      %mul3A_870 = arith.constant 16 : i32
      %mul3A_871 = arith.muli %scan3A_865, %mul3A_870 : i32
      %get3A_872 = arith.index_cast %mul3A_871 : i32 to index
      %get3A_873 = tpu.vector_load %arg5[%get3A_872] {strides = array<i32>} : memref<100000xf32, #tpu.memory_space<vmem>>, vector<16xf32>,
      %get3A_874 = vector.shape_cast %get3A_873 : vector<16xf32> to vector<16xf32>
      %mul3A_875 = arith.constant 16 : i32
      %mul3A_876 = arith.muli %scan3A_865, %mul3A_875 : i32
      %add3A_877 = arith.constant 50000 : i32
      %add3A_878 = arith.addi %add3A_877, %mul3A_876 : i32
      %get3A_879 = arith.index_cast %add3A_878 : i32 to index
      %get3A_880 = tpu.vector_load %arg5[%get3A_879] {strides = array<i32>} : memref<100000xf32, #tpu.memory_space<vmem>>, vector<16xf32>,
      %get3A_881 = vector.shape_cast %get3A_880 : vector<16xf32> to vector<16xf32>
      %gt3A_882 = arith.cmpf ogt, %get3A_874, %select_n3A_860 : vector<16xf32>
      %gt3A_883 = arith.cmpf ogt, %get3A_881, %select_n3A_862 : vector<16xf32>
      %select_n3A_884 = arith.select %gt3A_882, %get3A_874, %select_n3A_860 : vector<16xi1>, vector<16xf32>
      %select_n3A_885 = arith.select %gt3A_882, %add3A_869, %select_n3A_861 : vector<16xi1>, vector<16xi32>
      %select_n3A_886 = arith.select %gt3A_883, %get3A_881, %select_n3A_862 : vector<16xi1>, vector<16xf32>
      %select_n3A_887 = arith.select %gt3A_883, %add3A_869, %select_n3A_863 : vector<16xi1>, vector<16xi32>
      %scan3A_888 = arith.constant 24 : i32
      %scan3A_889 = arith.addi %scan3A_310, %scan3A_888 : i32
      %mul3A_890 = arith.constant 16 : i32
      %mul3A_891 = arith.muli %scan3A_889, %mul3A_890 : i32
      %add3A_892 = vector.broadcast %mul3A_891 : i32 to vector<16xi32>
      %add3A_893 = arith.addi %iota3A, %add3A_892 : vector<16xi32>
      %mul3A_894 = arith.constant 16 : i32
      %mul3A_895 = arith.muli %scan3A_889, %mul3A_894 : i32
      %get3A_896 = arith.index_cast %mul3A_895 : i32 to index
      %get3A_897 = tpu.vector_load %arg5[%get3A_896] {strides = array<i32>} : memref<100000xf32, #tpu.memory_space<vmem>>, vector<16xf32>,
      %get3A_898 = vector.shape_cast %get3A_897 : vector<16xf32> to vector<16xf32>
      %mul3A_899 = arith.constant 16 : i32
      %mul3A_900 = arith.muli %scan3A_889, %mul3A_899 : i32
      %add3A_901 = arith.constant 50000 : i32
      %add3A_902 = arith.addi %add3A_901, %mul3A_900 : i32
      %get3A_903 = arith.index_cast %add3A_902 : i32 to index
      %get3A_904 = tpu.vector_load %arg5[%get3A_903] {strides = array<i32>} : memref<100000xf32, #tpu.memory_space<vmem>>, vector<16xf32>,
      %get3A_905 = vector.shape_cast %get3A_904 : vector<16xf32> to vector<16xf32>
      %gt3A_906 = arith.cmpf ogt, %get3A_898, %select_n3A_884 : vector<16xf32>
      %gt3A_907 = arith.cmpf ogt, %get3A_905, %select_n3A_886 : vector<16xf32>
      %select_n3A_908 = arith.select %gt3A_906, %get3A_898, %select_n3A_884 : vector<16xi1>, vector<16xf32>
      %select_n3A_909 = arith.select %gt3A_906, %add3A_893, %select_n3A_885 : vector<16xi1>, vector<16xi32>
      %select_n3A_910 = arith.select %gt3A_907, %get3A_905, %select_n3A_886 : vector<16xi1>, vector<16xf32>
      %select_n3A_911 = arith.select %gt3A_907, %add3A_893, %select_n3A_887 : vector<16xi1>, vector<16xi32>
      scf.yield %select_n3A_908, %select_n3A_909, %select_n3A_910, %select_n3A_911 : vector<16xf32>, vector<16xi32>, vector<16xf32>, vector<16xi32>
    }
    %scan3A_19 = arith.constant 3125 : i32
    %gt3A = arith.cmpf ogt, %scan3A_18#2, %scan3A_18#0 : vector<16xf32>
    %select_n3A = arith.select %gt3A, %scan3A_18#2, %scan3A_18#0 : vector<16xi1>, vector<16xf32>
    %add3A_20 = arith.constant 50000 : i32
    %add3A_21 = vector.broadcast %add3A_20 : i32 to vector<16xi32>
    %add3A_22 = arith.addi %scan3A_18#3, %add3A_21 : vector<16xi32>
    %select_n3A_23 = arith.select %gt3A, %add3A_22, %scan3A_18#1 : vector<16xi1>, vector<16xi32>
    %xor3A = arith.constant 8 : i32
    %xor3A_24 = vector.broadcast %xor3A : i32 to vector<16xi32>
    %xor3A_25 = arith.xori %iota3A, %xor3A_24 : vector<16xi32>
    %lt3A = arith.constant 0 : i32
    %lt3A_26 = vector.broadcast %lt3A : i32 to vector<16xi32>
    %lt3A_27 = arith.cmpi slt, %xor3A_25, %lt3A_26 : vector<16xi32>
    %add3A_28 = arith.constant 16 : i32
    %add3A_29 = vector.broadcast %add3A_28 : i32 to vector<16xi32>
    %add3A_30 = arith.addi %xor3A_25, %add3A_29 : vector<16xi32>
    %select_n3A_31 = arith.select %lt3A_27, %add3A_30, %xor3A_25 : vector<16xi1>, vector<16xi32>
    %broadcast_in_dim3A_32 = vector.shape_cast %select_n3A_31 : vector<16xi32> to vector<16x1xi32>
    %gather3A = vector.shape_cast %broadcast_in_dim3A_32 : vector<16x1xi32> to vector<16xi32>
    %gather3A_33 = tpu.dynamic_gather %select_n3A[%gather3A] in [0] : vector<16xf32>, vector<16xi32> -> vector<16xf32>
    %lt3A_34 = arith.constant 0 : i32
    %lt3A_35 = vector.broadcast %lt3A_34 : i32 to vector<16xi32>
    %lt3A_36 = arith.cmpi slt, %xor3A_25, %lt3A_35 : vector<16xi32>
    %add3A_37 = arith.constant 16 : i32
    %add3A_38 = vector.broadcast %add3A_37 : i32 to vector<16xi32>
    %add3A_39 = arith.addi %xor3A_25, %add3A_38 : vector<16xi32>
    %select_n3A_40 = arith.select %lt3A_36, %add3A_39, %xor3A_25 : vector<16xi1>, vector<16xi32>
    %broadcast_in_dim3A_41 = vector.shape_cast %select_n3A_40 : vector<16xi32> to vector<16x1xi32>
    %gather3A_42 = vector.shape_cast %broadcast_in_dim3A_41 : vector<16x1xi32> to vector<16xi32>
    %gather3A_43 = tpu.dynamic_gather %select_n3A_23[%gather3A_42] in [0] : vector<16xi32>, vector<16xi32> -> vector<16xi32>
    %gt3A_44 = arith.cmpf ogt, %gather3A_33, %select_n3A : vector<16xf32>
    %eq3A = arith.cmpf oeq, %gather3A_33, %select_n3A : vector<16xf32>
    %lt3A_45 = arith.cmpi slt, %gather3A_43, %select_n3A_23 : vector<16xi32>
    %and3A = arith.andi %eq3A, %lt3A_45 : vector<16xi1>
    %or3A = arith.ori %gt3A_44, %and3A : vector<16xi1>
    %select_n3A_46 = arith.select %or3A, %gather3A_33, %select_n3A : vector<16xi1>, vector<16xf32>
    %select_n3A_47 = arith.select %or3A, %gather3A_43, %select_n3A_23 : vector<16xi1>, vector<16xi32>
    %xor3A_48 = arith.constant 4 : i32
    %xor3A_49 = vector.broadcast %xor3A_48 : i32 to vector<16xi32>
    %xor3A_50 = arith.xori %iota3A, %xor3A_49 : vector<16xi32>
    %lt3A_51 = arith.constant 0 : i32
    %lt3A_52 = vector.broadcast %lt3A_51 : i32 to vector<16xi32>
    %lt3A_53 = arith.cmpi slt, %xor3A_50, %lt3A_52 : vector<16xi32>
    %add3A_54 = arith.constant 16 : i32
    %add3A_55 = vector.broadcast %add3A_54 : i32 to vector<16xi32>
    %add3A_56 = arith.addi %xor3A_50, %add3A_55 : vector<16xi32>
    %select_n3A_57 = arith.select %lt3A_53, %add3A_56, %xor3A_50 : vector<16xi1>, vector<16xi32>
    %broadcast_in_dim3A_58 = vector.shape_cast %select_n3A_57 : vector<16xi32> to vector<16x1xi32>
    %gather3A_59 = vector.shape_cast %broadcast_in_dim3A_58 : vector<16x1xi32> to vector<16xi32>
    %gather3A_60 = tpu.dynamic_gather %select_n3A_46[%gather3A_59] in [0] : vector<16xf32>, vector<16xi32> -> vector<16xf32>
    %lt3A_61 = arith.constant 0 : i32
    %lt3A_62 = vector.broadcast %lt3A_61 : i32 to vector<16xi32>
    %lt3A_63 = arith.cmpi slt, %xor3A_50, %lt3A_62 : vector<16xi32>
    %add3A_64 = arith.constant 16 : i32
    %add3A_65 = vector.broadcast %add3A_64 : i32 to vector<16xi32>
    %add3A_66 = arith.addi %xor3A_50, %add3A_65 : vector<16xi32>
    %select_n3A_67 = arith.select %lt3A_63, %add3A_66, %xor3A_50 : vector<16xi1>, vector<16xi32>
    %broadcast_in_dim3A_68 = vector.shape_cast %select_n3A_67 : vector<16xi32> to vector<16x1xi32>
    %gather3A_69 = vector.shape_cast %broadcast_in_dim3A_68 : vector<16x1xi32> to vector<16xi32>
    %gather3A_70 = tpu.dynamic_gather %select_n3A_47[%gather3A_69] in [0] : vector<16xi32>, vector<16xi32> -> vector<16xi32>
    %gt3A_71 = arith.cmpf ogt, %gather3A_60, %select_n3A_46 : vector<16xf32>
    %eq3A_72 = arith.cmpf oeq, %gather3A_60, %select_n3A_46 : vector<16xf32>
    %lt3A_73 = arith.cmpi slt, %gather3A_70, %select_n3A_47 : vector<16xi32>
    %and3A_74 = arith.andi %eq3A_72, %lt3A_73 : vector<16xi1>
    %or3A_75 = arith.ori %gt3A_71, %and3A_74 : vector<16xi1>
    %select_n3A_76 = arith.select %or3A_75, %gather3A_60, %select_n3A_46 : vector<16xi1>, vector<16xf32>
    %select_n3A_77 = arith.select %or3A_75, %gather3A_70, %select_n3A_47 : vector<16xi1>, vector<16xi32>
    %xor3A_78 = arith.constant 2 : i32
    %xor3A_79 = vector.broadcast %xor3A_78 : i32 to vector<16xi32>
    %xor3A_80 = arith.xori %iota3A, %xor3A_79 : vector<16xi32>
    %lt3A_81 = arith.constant 0 : i32
    %lt3A_82 = vector.broadcast %lt3A_81 : i32 to vector<16xi32>
    %lt3A_83 = arith.cmpi slt, %xor3A_80, %lt3A_82 : vector<16xi32>
    %add3A_84 = arith.constant 16 : i32
    %add3A_85 = vector.broadcast %add3A_84 : i32 to vector<16xi32>
    %add3A_86 = arith.addi %xor3A_80, %add3A_85 : vector<16xi32>
    %select_n3A_87 = arith.select %lt3A_83, %add3A_86, %xor3A_80 : vector<16xi1>, vector<16xi32>
    %broadcast_in_dim3A_88 = vector.shape_cast %select_n3A_87 : vector<16xi32> to vector<16x1xi32>
    %gather3A_89 = vector.shape_cast %broadcast_in_dim3A_88 : vector<16x1xi32> to vector<16xi32>
    %gather3A_90 = tpu.dynamic_gather %select_n3A_76[%gather3A_89] in [0] : vector<16xf32>, vector<16xi32> -> vector<16xf32>
    %lt3A_91 = arith.constant 0 : i32
    %lt3A_92 = vector.broadcast %lt3A_91 : i32 to vector<16xi32>
    %lt3A_93 = arith.cmpi slt, %xor3A_80, %lt3A_92 : vector<16xi32>
    %add3A_94 = arith.constant 16 : i32
    %add3A_95 = vector.broadcast %add3A_94 : i32 to vector<16xi32>
    %add3A_96 = arith.addi %xor3A_80, %add3A_95 : vector<16xi32>
    %select_n3A_97 = arith.select %lt3A_93, %add3A_96, %xor3A_80 : vector<16xi1>, vector<16xi32>
    %broadcast_in_dim3A_98 = vector.shape_cast %select_n3A_97 : vector<16xi32> to vector<16x1xi32>
    %gather3A_99 = vector.shape_cast %broadcast_in_dim3A_98 : vector<16x1xi32> to vector<16xi32>
    %gather3A_100 = tpu.dynamic_gather %select_n3A_77[%gather3A_99] in [0] : vector<16xi32>, vector<16xi32> -> vector<16xi32>
    %gt3A_101 = arith.cmpf ogt, %gather3A_90, %select_n3A_76 : vector<16xf32>
    %eq3A_102 = arith.cmpf oeq, %gather3A_90, %select_n3A_76 : vector<16xf32>
    %lt3A_103 = arith.cmpi slt, %gather3A_100, %select_n3A_77 : vector<16xi32>
    %and3A_104 = arith.andi %eq3A_102, %lt3A_103 : vector<16xi1>
    %or3A_105 = arith.ori %gt3A_101, %and3A_104 : vector<16xi1>
    %select_n3A_106 = arith.select %or3A_105, %gather3A_90, %select_n3A_76 : vector<16xi1>, vector<16xf32>
    %select_n3A_107 = arith.select %or3A_105, %gather3A_100, %select_n3A_77 : vector<16xi1>, vector<16xi32>
    %xor3A_108 = arith.constant 1 : i32
    %xor3A_109 = vector.broadcast %xor3A_108 : i32 to vector<16xi32>
    %xor3A_110 = arith.xori %iota3A, %xor3A_109 : vector<16xi32>
    %lt3A_111 = arith.constant 0 : i32
    %lt3A_112 = vector.broadcast %lt3A_111 : i32 to vector<16xi32>
    %lt3A_113 = arith.cmpi slt, %xor3A_110, %lt3A_112 : vector<16xi32>
    %add3A_114 = arith.constant 16 : i32
    %add3A_115 = vector.broadcast %add3A_114 : i32 to vector<16xi32>
    %add3A_116 = arith.addi %xor3A_110, %add3A_115 : vector<16xi32>
    %select_n3A_117 = arith.select %lt3A_113, %add3A_116, %xor3A_110 : vector<16xi1>, vector<16xi32>
    %broadcast_in_dim3A_118 = vector.shape_cast %select_n3A_117 : vector<16xi32> to vector<16x1xi32>
    %gather3A_119 = vector.shape_cast %broadcast_in_dim3A_118 : vector<16x1xi32> to vector<16xi32>
    %gather3A_120 = tpu.dynamic_gather %select_n3A_106[%gather3A_119] in [0] : vector<16xf32>, vector<16xi32> -> vector<16xf32>
    %lt3A_121 = arith.constant 0 : i32
    %lt3A_122 = vector.broadcast %lt3A_121 : i32 to vector<16xi32>
    %lt3A_123 = arith.cmpi slt, %xor3A_110, %lt3A_122 : vector<16xi32>
    %add3A_124 = arith.constant 16 : i32
    %add3A_125 = vector.broadcast %add3A_124 : i32 to vector<16xi32>
    %add3A_126 = arith.addi %xor3A_110, %add3A_125 : vector<16xi32>
    %select_n3A_127 = arith.select %lt3A_123, %add3A_126, %xor3A_110 : vector<16xi1>, vector<16xi32>
    %broadcast_in_dim3A_128 = vector.shape_cast %select_n3A_127 : vector<16xi32> to vector<16x1xi32>
    %gather3A_129 = vector.shape_cast %broadcast_in_dim3A_128 : vector<16x1xi32> to vector<16xi32>
    %gather3A_130 = tpu.dynamic_gather %select_n3A_107[%gather3A_129] in [0] : vector<16xi32>, vector<16xi32> -> vector<16xi32>
    %gt3A_131 = arith.cmpf ogt, %gather3A_120, %select_n3A_106 : vector<16xf32>
    %eq3A_132 = arith.cmpf oeq, %gather3A_120, %select_n3A_106 : vector<16xf32>
    %lt3A_133 = arith.cmpi slt, %gather3A_130, %select_n3A_107 : vector<16xi32>
    %and3A_134 = arith.andi %eq3A_132, %lt3A_133 : vector<16xi1>
    %or3A_135 = arith.ori %gt3A_131, %and3A_134 : vector<16xi1>
    %select_n3A_136 = arith.select %or3A_135, %gather3A_120, %select_n3A_106 : vector<16xi1>, vector<16xf32>
    %select_n3A_137 = arith.select %or3A_135, %gather3A_130, %select_n3A_107 : vector<16xi1>, vector<16xi32>
    %swap3A = arith.constant 0 : i32
    %swap3A_138 = arith.index_cast %swap3A : i32 to index
    %swap3A_139 = arith.constant 0 : index
    %swap3A_140 = tpu.vector_load %arg6[%swap3A_138, %swap3A_139] {strides = array<i32>} : memref<2x16xi32, #tpu.memory_space<vmem>>, vector<1x16xi32>,
    %swap3A_141 = vector.shape_cast %swap3A_140 : vector<1x16xi32> to vector<16xi32>
    %swap3A_142 = vector.shape_cast %select_n3A_137 : vector<16xi32> to vector<1x16xi32>
    tpu.vector_store %arg6[%swap3A_138, %swap3A_139], %swap3A_142 {strides = array<i32>} : memref<2x16xi32, #tpu.memory_space<vmem>>, vector<1x16xi32>,
    %dma_wait3A = arith.constant 0 : i32
    %dma_wait3A_143 = tpu.memref_slice %arg4[%add3A_4, %dma_wait3A] : memref<64x100000xf32, #tpu.memory_space<hbm>> -> memref<1x100000xf32, #tpu.memory_space<hbm>>
    %dma_wait3A_144 = tpu.memref_squeeze %dma_wait3A_143 : memref<1x100000xf32, #tpu.memory_space<hbm>> -> memref<100000xf32, #tpu.memory_space<hbm>>
    %dma_wait3A_145 = arith.constant 0 : i32
    %dma_wait3A_146 = tpu.memref_slice %arg4[%add3A_4, %dma_wait3A_145] : memref<64x100000xf32, #tpu.memory_space<hbm>> -> memref<1x100000xf32, #tpu.memory_space<hbm>>
    %dma_wait3A_147 = tpu.memref_squeeze %dma_wait3A_146 : memref<1x100000xf32, #tpu.memory_space<hbm>> -> memref<100000xf32, #tpu.memory_space<hbm>>
    tpu.wait_dma2 semaphore(%arg7 : memref<!tpu.dma_semaphore, #tpu.memory_space<semaphore_mem>>) src(%arg5 : memref<100000xf32, #tpu.memory_space<vmem>>) dst(%dma_wait3A_147 : memref<100000xf32, #tpu.memory_space<hbm>>)
    %mul3A_148 = arith.constant 2 : i32
    %mul3A_149 = arith.muli %add3A, %mul3A_148 : i32
    %add3A_150 = arith.constant 1 : i32
    %add3A_151 = arith.addi %mul3A_149, %add3A_150 : i32
    %mul3A_152 = arith.constant 4 : i32
    %mul3A_153 = arith.muli %add3A_151, %mul3A_152 : i32
    %add3A_154 = arith.constant 3 : i32
    %add3A_155 = arith.addi %mul3A_153, %add3A_154 : i32
    "tpu.region"() ({
      %run_scoped3A = tpu.sem_alloc : memref<!tpu.dma_semaphore, #tpu.memory_space<semaphore_mem>>
      %dma_start3A_310 = arith.constant 0 : i32
      %dma_start3A_311 = tpu.memref_slice %arg2[%add3A_155, %dma_start3A_310] : memref<256x100000xf32, #tpu.memory_space<hbm>> -> memref<1x100000xf32, #tpu.memory_space<hbm>>
      %dma_start3A_312 = tpu.memref_squeeze %dma_start3A_311 : memref<1x100000xf32, #tpu.memory_space<hbm>> -> memref<100000xf32, #tpu.memory_space<hbm>>
      %dma_start3A_313 = arith.constant 0 : i32
      %dma_start3A_314 = tpu.memref_slice %arg2[%add3A_155, %dma_start3A_313] : memref<256x100000xf32, #tpu.memory_space<hbm>> -> memref<1x100000xf32, #tpu.memory_space<hbm>>
      %dma_start3A_315 = tpu.memref_squeeze %dma_start3A_314 : memref<1x100000xf32, #tpu.memory_space<hbm>> -> memref<100000xf32, #tpu.memory_space<hbm>>
      tpu.enqueue_dma source(%dma_start3A_315 : memref<100000xf32, #tpu.memory_space<hbm>>) target(%arg5 : memref<100000xf32, #tpu.memory_space<vmem>>) target_semaphore(%run_scoped3A : memref<!tpu.dma_semaphore, #tpu.memory_space<semaphore_mem>>)
      %dma_wait3A_316 = arith.constant 0 : i32
      %dma_wait3A_317 = tpu.memref_slice %arg2[%add3A_155, %dma_wait3A_316] : memref<256x100000xf32, #tpu.memory_space<hbm>> -> memref<1x100000xf32, #tpu.memory_space<hbm>>
      %dma_wait3A_318 = tpu.memref_squeeze %dma_wait3A_317 : memref<1x100000xf32, #tpu.memory_space<hbm>> -> memref<100000xf32, #tpu.memory_space<hbm>>
      %dma_wait3A_319 = arith.constant 0 : i32
      %dma_wait3A_320 = tpu.memref_slice %arg2[%add3A_155, %dma_wait3A_319] : memref<256x100000xf32, #tpu.memory_space<hbm>> -> memref<1x100000xf32, #tpu.memory_space<hbm>>
      %dma_wait3A_321 = tpu.memref_squeeze %dma_wait3A_320 : memref<1x100000xf32, #tpu.memory_space<hbm>> -> memref<100000xf32, #tpu.memory_space<hbm>>
      tpu.wait_dma2 semaphore(%run_scoped3A : memref<!tpu.dma_semaphore, #tpu.memory_space<semaphore_mem>>) src(%dma_wait3A_321 : memref<100000xf32, #tpu.memory_space<hbm>>) dst(%arg5 : memref<100000xf32, #tpu.memory_space<vmem>>)
      tpu.yield
    }) : () -> ()
    %dma_start3A_156 = arith.constant 0 : i32
    %dma_start3A_157 = tpu.memref_slice %arg4[%add3A_151, %dma_start3A_156] : memref<64x100000xf32, #tpu.memory_space<hbm>> -> memref<1x100000xf32, #tpu.memory_space<hbm>>
    %dma_start3A_158 = tpu.memref_squeeze %dma_start3A_157 : memref<1x100000xf32, #tpu.memory_space<hbm>> -> memref<100000xf32, #tpu.memory_space<hbm>>
    %dma_start3A_159 = arith.constant 0 : i32
    %dma_start3A_160 = tpu.memref_slice %arg4[%add3A_151, %dma_start3A_159] : memref<64x100000xf32, #tpu.memory_space<hbm>> -> memref<1x100000xf32, #tpu.memory_space<hbm>>
    %dma_start3A_161 = tpu.memref_squeeze %dma_start3A_160 : memref<1x100000xf32, #tpu.memory_space<hbm>> -> memref<100000xf32, #tpu.memory_space<hbm>>
    tpu.enqueue_dma source(%arg5 : memref<100000xf32, #tpu.memory_space<vmem>>) target(%dma_start3A_161 : memref<100000xf32, #tpu.memory_space<hbm>>) target_semaphore(%arg7 : memref<!tpu.dma_semaphore, #tpu.memory_space<semaphore_mem>>)
    %broadcast_in_dim3A_162 = arith.constant 0xFF800000 : f32
    %broadcast_in_dim3A_163 = vector.broadcast %broadcast_in_dim3A_162 : f32 to vector<16xf32>
    %scan3A_164 = arith.constant 0 : i32
    %scan3A_165 = arith.constant 3125 : i32
    %scan3A_166 = arith.addi %scan3A_164, %scan3A_165 : i32
    %scan3A_167 = arith.constant 25 : i32
    %scan3A_168:4 = scf.for %scan3A_310 = %scan3A_164 to %scan3A_166 step %scan3A_167 iter_args(%scan3A_311 = %broadcast_in_dim3A_163, %scan3A_312 = %iota3A, %scan3A_313 = %broadcast_in_dim3A_163, %scan3A_314 = %iota3A) -> (vector<16xf32>, vector<16xi32>, vector<16xf32>, vector<16xi32>)  : i32 {
      %mul3A_315 = arith.constant 16 : i32
      %mul3A_316 = arith.muli %scan3A_310, %mul3A_315 : i32
      %add3A_317 = vector.broadcast %mul3A_316 : i32 to vector<16xi32>
      %add3A_318 = arith.addi %iota3A, %add3A_317 : vector<16xi32>
      %mul3A_319 = arith.constant 16 : i32
      %mul3A_320 = arith.muli %scan3A_310, %mul3A_319 : i32
      %get3A = arith.index_cast %mul3A_320 : i32 to index
      %get3A_321 = tpu.vector_load %arg5[%get3A] {strides = array<i32>} : memref<100000xf32, #tpu.memory_space<vmem>>, vector<16xf32>,
      %get3A_322 = vector.shape_cast %get3A_321 : vector<16xf32> to vector<16xf32>
      %mul3A_323 = arith.constant 16 : i32
      %mul3A_324 = arith.muli %scan3A_310, %mul3A_323 : i32
      %add3A_325 = arith.constant 50000 : i32
      %add3A_326 = arith.addi %add3A_325, %mul3A_324 : i32
      %get3A_327 = arith.index_cast %add3A_326 : i32 to index
      %get3A_328 = tpu.vector_load %arg5[%get3A_327] {strides = array<i32>} : memref<100000xf32, #tpu.memory_space<vmem>>, vector<16xf32>,
      %get3A_329 = vector.shape_cast %get3A_328 : vector<16xf32> to vector<16xf32>
      %gt3A_330 = arith.cmpf ogt, %get3A_322, %scan3A_311 : vector<16xf32>
      %gt3A_331 = arith.cmpf ogt, %get3A_329, %scan3A_313 : vector<16xf32>
      %select_n3A_332 = arith.select %gt3A_330, %get3A_322, %scan3A_311 : vector<16xi1>, vector<16xf32>
      %select_n3A_333 = arith.select %gt3A_330, %add3A_318, %scan3A_312 : vector<16xi1>, vector<16xi32>
      %select_n3A_334 = arith.select %gt3A_331, %get3A_329, %scan3A_313 : vector<16xi1>, vector<16xf32>
      %select_n3A_335 = arith.select %gt3A_331, %add3A_318, %scan3A_314 : vector<16xi1>, vector<16xi32>
      %scan3A_336 = arith.constant 1 : i32
      %scan3A_337 = arith.addi %scan3A_310, %scan3A_336 : i32
      %mul3A_338 = arith.constant 16 : i32
      %mul3A_339 = arith.muli %scan3A_337, %mul3A_338 : i32
      %add3A_340 = vector.broadcast %mul3A_339 : i32 to vector<16xi32>
      %add3A_341 = arith.addi %iota3A, %add3A_340 : vector<16xi32>
      %mul3A_342 = arith.constant 16 : i32
      %mul3A_343 = arith.muli %scan3A_337, %mul3A_342 : i32
      %get3A_344 = arith.index_cast %mul3A_343 : i32 to index
      %get3A_345 = tpu.vector_load %arg5[%get3A_344] {strides = array<i32>} : memref<100000xf32, #tpu.memory_space<vmem>>, vector<16xf32>,
      %get3A_346 = vector.shape_cast %get3A_345 : vector<16xf32> to vector<16xf32>
      %mul3A_347 = arith.constant 16 : i32
      %mul3A_348 = arith.muli %scan3A_337, %mul3A_347 : i32
      %add3A_349 = arith.constant 50000 : i32
      %add3A_350 = arith.addi %add3A_349, %mul3A_348 : i32
      %get3A_351 = arith.index_cast %add3A_350 : i32 to index
      %get3A_352 = tpu.vector_load %arg5[%get3A_351] {strides = array<i32>} : memref<100000xf32, #tpu.memory_space<vmem>>, vector<16xf32>,
      %get3A_353 = vector.shape_cast %get3A_352 : vector<16xf32> to vector<16xf32>
      %gt3A_354 = arith.cmpf ogt, %get3A_346, %select_n3A_332 : vector<16xf32>
      %gt3A_355 = arith.cmpf ogt, %get3A_353, %select_n3A_334 : vector<16xf32>
      %select_n3A_356 = arith.select %gt3A_354, %get3A_346, %select_n3A_332 : vector<16xi1>, vector<16xf32>
      %select_n3A_357 = arith.select %gt3A_354, %add3A_341, %select_n3A_333 : vector<16xi1>, vector<16xi32>
      %select_n3A_358 = arith.select %gt3A_355, %get3A_353, %select_n3A_334 : vector<16xi1>, vector<16xf32>
      %select_n3A_359 = arith.select %gt3A_355, %add3A_341, %select_n3A_335 : vector<16xi1>, vector<16xi32>
      %scan3A_360 = arith.constant 2 : i32
      %scan3A_361 = arith.addi %scan3A_310, %scan3A_360 : i32
      %mul3A_362 = arith.constant 16 : i32
      %mul3A_363 = arith.muli %scan3A_361, %mul3A_362 : i32
      %add3A_364 = vector.broadcast %mul3A_363 : i32 to vector<16xi32>
      %add3A_365 = arith.addi %iota3A, %add3A_364 : vector<16xi32>
      %mul3A_366 = arith.constant 16 : i32
      %mul3A_367 = arith.muli %scan3A_361, %mul3A_366 : i32
      %get3A_368 = arith.index_cast %mul3A_367 : i32 to index
      %get3A_369 = tpu.vector_load %arg5[%get3A_368] {strides = array<i32>} : memref<100000xf32, #tpu.memory_space<vmem>>, vector<16xf32>,
      %get3A_370 = vector.shape_cast %get3A_369 : vector<16xf32> to vector<16xf32>
      %mul3A_371 = arith.constant 16 : i32
      %mul3A_372 = arith.muli %scan3A_361, %mul3A_371 : i32
      %add3A_373 = arith.constant 50000 : i32
      %add3A_374 = arith.addi %add3A_373, %mul3A_372 : i32
      %get3A_375 = arith.index_cast %add3A_374 : i32 to index
      %get3A_376 = tpu.vector_load %arg5[%get3A_375] {strides = array<i32>} : memref<100000xf32, #tpu.memory_space<vmem>>, vector<16xf32>,
      %get3A_377 = vector.shape_cast %get3A_376 : vector<16xf32> to vector<16xf32>
      %gt3A_378 = arith.cmpf ogt, %get3A_370, %select_n3A_356 : vector<16xf32>
      %gt3A_379 = arith.cmpf ogt, %get3A_377, %select_n3A_358 : vector<16xf32>
      %select_n3A_380 = arith.select %gt3A_378, %get3A_370, %select_n3A_356 : vector<16xi1>, vector<16xf32>
      %select_n3A_381 = arith.select %gt3A_378, %add3A_365, %select_n3A_357 : vector<16xi1>, vector<16xi32>
      %select_n3A_382 = arith.select %gt3A_379, %get3A_377, %select_n3A_358 : vector<16xi1>, vector<16xf32>
      %select_n3A_383 = arith.select %gt3A_379, %add3A_365, %select_n3A_359 : vector<16xi1>, vector<16xi32>
      %scan3A_384 = arith.constant 3 : i32
      %scan3A_385 = arith.addi %scan3A_310, %scan3A_384 : i32
      %mul3A_386 = arith.constant 16 : i32
      %mul3A_387 = arith.muli %scan3A_385, %mul3A_386 : i32
      %add3A_388 = vector.broadcast %mul3A_387 : i32 to vector<16xi32>
      %add3A_389 = arith.addi %iota3A, %add3A_388 : vector<16xi32>
      %mul3A_390 = arith.constant 16 : i32
      %mul3A_391 = arith.muli %scan3A_385, %mul3A_390 : i32
      %get3A_392 = arith.index_cast %mul3A_391 : i32 to index
      %get3A_393 = tpu.vector_load %arg5[%get3A_392] {strides = array<i32>} : memref<100000xf32, #tpu.memory_space<vmem>>, vector<16xf32>,
      %get3A_394 = vector.shape_cast %get3A_393 : vector<16xf32> to vector<16xf32>
      %mul3A_395 = arith.constant 16 : i32
      %mul3A_396 = arith.muli %scan3A_385, %mul3A_395 : i32
      %add3A_397 = arith.constant 50000 : i32
      %add3A_398 = arith.addi %add3A_397, %mul3A_396 : i32
      %get3A_399 = arith.index_cast %add3A_398 : i32 to index
      %get3A_400 = tpu.vector_load %arg5[%get3A_399] {strides = array<i32>} : memref<100000xf32, #tpu.memory_space<vmem>>, vector<16xf32>,
      %get3A_401 = vector.shape_cast %get3A_400 : vector<16xf32> to vector<16xf32>
      %gt3A_402 = arith.cmpf ogt, %get3A_394, %select_n3A_380 : vector<16xf32>
      %gt3A_403 = arith.cmpf ogt, %get3A_401, %select_n3A_382 : vector<16xf32>
      %select_n3A_404 = arith.select %gt3A_402, %get3A_394, %select_n3A_380 : vector<16xi1>, vector<16xf32>
      %select_n3A_405 = arith.select %gt3A_402, %add3A_389, %select_n3A_381 : vector<16xi1>, vector<16xi32>
      %select_n3A_406 = arith.select %gt3A_403, %get3A_401, %select_n3A_382 : vector<16xi1>, vector<16xf32>
      %select_n3A_407 = arith.select %gt3A_403, %add3A_389, %select_n3A_383 : vector<16xi1>, vector<16xi32>
      %scan3A_408 = arith.constant 4 : i32
      %scan3A_409 = arith.addi %scan3A_310, %scan3A_408 : i32
      %mul3A_410 = arith.constant 16 : i32
      %mul3A_411 = arith.muli %scan3A_409, %mul3A_410 : i32
      %add3A_412 = vector.broadcast %mul3A_411 : i32 to vector<16xi32>
      %add3A_413 = arith.addi %iota3A, %add3A_412 : vector<16xi32>
      %mul3A_414 = arith.constant 16 : i32
      %mul3A_415 = arith.muli %scan3A_409, %mul3A_414 : i32
      %get3A_416 = arith.index_cast %mul3A_415 : i32 to index
      %get3A_417 = tpu.vector_load %arg5[%get3A_416] {strides = array<i32>} : memref<100000xf32, #tpu.memory_space<vmem>>, vector<16xf32>,
      %get3A_418 = vector.shape_cast %get3A_417 : vector<16xf32> to vector<16xf32>
      %mul3A_419 = arith.constant 16 : i32
      %mul3A_420 = arith.muli %scan3A_409, %mul3A_419 : i32
      %add3A_421 = arith.constant 50000 : i32
      %add3A_422 = arith.addi %add3A_421, %mul3A_420 : i32
      %get3A_423 = arith.index_cast %add3A_422 : i32 to index
      %get3A_424 = tpu.vector_load %arg5[%get3A_423] {strides = array<i32>} : memref<100000xf32, #tpu.memory_space<vmem>>, vector<16xf32>,
      %get3A_425 = vector.shape_cast %get3A_424 : vector<16xf32> to vector<16xf32>
      %gt3A_426 = arith.cmpf ogt, %get3A_418, %select_n3A_404 : vector<16xf32>
      %gt3A_427 = arith.cmpf ogt, %get3A_425, %select_n3A_406 : vector<16xf32>
      %select_n3A_428 = arith.select %gt3A_426, %get3A_418, %select_n3A_404 : vector<16xi1>, vector<16xf32>
      %select_n3A_429 = arith.select %gt3A_426, %add3A_413, %select_n3A_405 : vector<16xi1>, vector<16xi32>
      %select_n3A_430 = arith.select %gt3A_427, %get3A_425, %select_n3A_406 : vector<16xi1>, vector<16xf32>
      %select_n3A_431 = arith.select %gt3A_427, %add3A_413, %select_n3A_407 : vector<16xi1>, vector<16xi32>
      %scan3A_432 = arith.constant 5 : i32
      %scan3A_433 = arith.addi %scan3A_310, %scan3A_432 : i32
      %mul3A_434 = arith.constant 16 : i32
      %mul3A_435 = arith.muli %scan3A_433, %mul3A_434 : i32
      %add3A_436 = vector.broadcast %mul3A_435 : i32 to vector<16xi32>
      %add3A_437 = arith.addi %iota3A, %add3A_436 : vector<16xi32>
      %mul3A_438 = arith.constant 16 : i32
      %mul3A_439 = arith.muli %scan3A_433, %mul3A_438 : i32
      %get3A_440 = arith.index_cast %mul3A_439 : i32 to index
      %get3A_441 = tpu.vector_load %arg5[%get3A_440] {strides = array<i32>} : memref<100000xf32, #tpu.memory_space<vmem>>, vector<16xf32>,
      %get3A_442 = vector.shape_cast %get3A_441 : vector<16xf32> to vector<16xf32>
      %mul3A_443 = arith.constant 16 : i32
      %mul3A_444 = arith.muli %scan3A_433, %mul3A_443 : i32
      %add3A_445 = arith.constant 50000 : i32
      %add3A_446 = arith.addi %add3A_445, %mul3A_444 : i32
      %get3A_447 = arith.index_cast %add3A_446 : i32 to index
      %get3A_448 = tpu.vector_load %arg5[%get3A_447] {strides = array<i32>} : memref<100000xf32, #tpu.memory_space<vmem>>, vector<16xf32>,
      %get3A_449 = vector.shape_cast %get3A_448 : vector<16xf32> to vector<16xf32>
      %gt3A_450 = arith.cmpf ogt, %get3A_442, %select_n3A_428 : vector<16xf32>
      %gt3A_451 = arith.cmpf ogt, %get3A_449, %select_n3A_430 : vector<16xf32>
      %select_n3A_452 = arith.select %gt3A_450, %get3A_442, %select_n3A_428 : vector<16xi1>, vector<16xf32>
      %select_n3A_453 = arith.select %gt3A_450, %add3A_437, %select_n3A_429 : vector<16xi1>, vector<16xi32>
      %select_n3A_454 = arith.select %gt3A_451, %get3A_449, %select_n3A_430 : vector<16xi1>, vector<16xf32>
      %select_n3A_455 = arith.select %gt3A_451, %add3A_437, %select_n3A_431 : vector<16xi1>, vector<16xi32>
      %scan3A_456 = arith.constant 6 : i32
      %scan3A_457 = arith.addi %scan3A_310, %scan3A_456 : i32
      %mul3A_458 = arith.constant 16 : i32
      %mul3A_459 = arith.muli %scan3A_457, %mul3A_458 : i32
      %add3A_460 = vector.broadcast %mul3A_459 : i32 to vector<16xi32>
      %add3A_461 = arith.addi %iota3A, %add3A_460 : vector<16xi32>
      %mul3A_462 = arith.constant 16 : i32
      %mul3A_463 = arith.muli %scan3A_457, %mul3A_462 : i32
      %get3A_464 = arith.index_cast %mul3A_463 : i32 to index
      %get3A_465 = tpu.vector_load %arg5[%get3A_464] {strides = array<i32>} : memref<100000xf32, #tpu.memory_space<vmem>>, vector<16xf32>,
      %get3A_466 = vector.shape_cast %get3A_465 : vector<16xf32> to vector<16xf32>
      %mul3A_467 = arith.constant 16 : i32
      %mul3A_468 = arith.muli %scan3A_457, %mul3A_467 : i32
      %add3A_469 = arith.constant 50000 : i32
      %add3A_470 = arith.addi %add3A_469, %mul3A_468 : i32
      %get3A_471 = arith.index_cast %add3A_470 : i32 to index
      %get3A_472 = tpu.vector_load %arg5[%get3A_471] {strides = array<i32>} : memref<100000xf32, #tpu.memory_space<vmem>>, vector<16xf32>,
      %get3A_473 = vector.shape_cast %get3A_472 : vector<16xf32> to vector<16xf32>
      %gt3A_474 = arith.cmpf ogt, %get3A_466, %select_n3A_452 : vector<16xf32>
      %gt3A_475 = arith.cmpf ogt, %get3A_473, %select_n3A_454 : vector<16xf32>
      %select_n3A_476 = arith.select %gt3A_474, %get3A_466, %select_n3A_452 : vector<16xi1>, vector<16xf32>
      %select_n3A_477 = arith.select %gt3A_474, %add3A_461, %select_n3A_453 : vector<16xi1>, vector<16xi32>
      %select_n3A_478 = arith.select %gt3A_475, %get3A_473, %select_n3A_454 : vector<16xi1>, vector<16xf32>
      %select_n3A_479 = arith.select %gt3A_475, %add3A_461, %select_n3A_455 : vector<16xi1>, vector<16xi32>
      %scan3A_480 = arith.constant 7 : i32
      %scan3A_481 = arith.addi %scan3A_310, %scan3A_480 : i32
      %mul3A_482 = arith.constant 16 : i32
      %mul3A_483 = arith.muli %scan3A_481, %mul3A_482 : i32
      %add3A_484 = vector.broadcast %mul3A_483 : i32 to vector<16xi32>
      %add3A_485 = arith.addi %iota3A, %add3A_484 : vector<16xi32>
      %mul3A_486 = arith.constant 16 : i32
      %mul3A_487 = arith.muli %scan3A_481, %mul3A_486 : i32
      %get3A_488 = arith.index_cast %mul3A_487 : i32 to index
      %get3A_489 = tpu.vector_load %arg5[%get3A_488] {strides = array<i32>} : memref<100000xf32, #tpu.memory_space<vmem>>, vector<16xf32>,
      %get3A_490 = vector.shape_cast %get3A_489 : vector<16xf32> to vector<16xf32>
      %mul3A_491 = arith.constant 16 : i32
      %mul3A_492 = arith.muli %scan3A_481, %mul3A_491 : i32
      %add3A_493 = arith.constant 50000 : i32
      %add3A_494 = arith.addi %add3A_493, %mul3A_492 : i32
      %get3A_495 = arith.index_cast %add3A_494 : i32 to index
      %get3A_496 = tpu.vector_load %arg5[%get3A_495] {strides = array<i32>} : memref<100000xf32, #tpu.memory_space<vmem>>, vector<16xf32>,
      %get3A_497 = vector.shape_cast %get3A_496 : vector<16xf32> to vector<16xf32>
      %gt3A_498 = arith.cmpf ogt, %get3A_490, %select_n3A_476 : vector<16xf32>
      %gt3A_499 = arith.cmpf ogt, %get3A_497, %select_n3A_478 : vector<16xf32>
      %select_n3A_500 = arith.select %gt3A_498, %get3A_490, %select_n3A_476 : vector<16xi1>, vector<16xf32>
      %select_n3A_501 = arith.select %gt3A_498, %add3A_485, %select_n3A_477 : vector<16xi1>, vector<16xi32>
      %select_n3A_502 = arith.select %gt3A_499, %get3A_497, %select_n3A_478 : vector<16xi1>, vector<16xf32>
      %select_n3A_503 = arith.select %gt3A_499, %add3A_485, %select_n3A_479 : vector<16xi1>, vector<16xi32>
      %scan3A_504 = arith.constant 8 : i32
      %scan3A_505 = arith.addi %scan3A_310, %scan3A_504 : i32
      %mul3A_506 = arith.constant 16 : i32
      %mul3A_507 = arith.muli %scan3A_505, %mul3A_506 : i32
      %add3A_508 = vector.broadcast %mul3A_507 : i32 to vector<16xi32>
      %add3A_509 = arith.addi %iota3A, %add3A_508 : vector<16xi32>
      %mul3A_510 = arith.constant 16 : i32
      %mul3A_511 = arith.muli %scan3A_505, %mul3A_510 : i32
      %get3A_512 = arith.index_cast %mul3A_511 : i32 to index
      %get3A_513 = tpu.vector_load %arg5[%get3A_512] {strides = array<i32>} : memref<100000xf32, #tpu.memory_space<vmem>>, vector<16xf32>,
      %get3A_514 = vector.shape_cast %get3A_513 : vector<16xf32> to vector<16xf32>
      %mul3A_515 = arith.constant 16 : i32
      %mul3A_516 = arith.muli %scan3A_505, %mul3A_515 : i32
      %add3A_517 = arith.constant 50000 : i32
      %add3A_518 = arith.addi %add3A_517, %mul3A_516 : i32
      %get3A_519 = arith.index_cast %add3A_518 : i32 to index
      %get3A_520 = tpu.vector_load %arg5[%get3A_519] {strides = array<i32>} : memref<100000xf32, #tpu.memory_space<vmem>>, vector<16xf32>,
      %get3A_521 = vector.shape_cast %get3A_520 : vector<16xf32> to vector<16xf32>
      %gt3A_522 = arith.cmpf ogt, %get3A_514, %select_n3A_500 : vector<16xf32>
      %gt3A_523 = arith.cmpf ogt, %get3A_521, %select_n3A_502 : vector<16xf32>
      %select_n3A_524 = arith.select %gt3A_522, %get3A_514, %select_n3A_500 : vector<16xi1>, vector<16xf32>
      %select_n3A_525 = arith.select %gt3A_522, %add3A_509, %select_n3A_501 : vector<16xi1>, vector<16xi32>
      %select_n3A_526 = arith.select %gt3A_523, %get3A_521, %select_n3A_502 : vector<16xi1>, vector<16xf32>
      %select_n3A_527 = arith.select %gt3A_523, %add3A_509, %select_n3A_503 : vector<16xi1>, vector<16xi32>
      %scan3A_528 = arith.constant 9 : i32
      %scan3A_529 = arith.addi %scan3A_310, %scan3A_528 : i32
      %mul3A_530 = arith.constant 16 : i32
      %mul3A_531 = arith.muli %scan3A_529, %mul3A_530 : i32
      %add3A_532 = vector.broadcast %mul3A_531 : i32 to vector<16xi32>
      %add3A_533 = arith.addi %iota3A, %add3A_532 : vector<16xi32>
      %mul3A_534 = arith.constant 16 : i32
      %mul3A_535 = arith.muli %scan3A_529, %mul3A_534 : i32
      %get3A_536 = arith.index_cast %mul3A_535 : i32 to index
      %get3A_537 = tpu.vector_load %arg5[%get3A_536] {strides = array<i32>} : memref<100000xf32, #tpu.memory_space<vmem>>, vector<16xf32>,
      %get3A_538 = vector.shape_cast %get3A_537 : vector<16xf32> to vector<16xf32>
      %mul3A_539 = arith.constant 16 : i32
      %mul3A_540 = arith.muli %scan3A_529, %mul3A_539 : i32
      %add3A_541 = arith.constant 50000 : i32
      %add3A_542 = arith.addi %add3A_541, %mul3A_540 : i32
      %get3A_543 = arith.index_cast %add3A_542 : i32 to index
      %get3A_544 = tpu.vector_load %arg5[%get3A_543] {strides = array<i32>} : memref<100000xf32, #tpu.memory_space<vmem>>, vector<16xf32>,
      %get3A_545 = vector.shape_cast %get3A_544 : vector<16xf32> to vector<16xf32>
      %gt3A_546 = arith.cmpf ogt, %get3A_538, %select_n3A_524 : vector<16xf32>
      %gt3A_547 = arith.cmpf ogt, %get3A_545, %select_n3A_526 : vector<16xf32>
      %select_n3A_548 = arith.select %gt3A_546, %get3A_538, %select_n3A_524 : vector<16xi1>, vector<16xf32>
      %select_n3A_549 = arith.select %gt3A_546, %add3A_533, %select_n3A_525 : vector<16xi1>, vector<16xi32>
      %select_n3A_550 = arith.select %gt3A_547, %get3A_545, %select_n3A_526 : vector<16xi1>, vector<16xf32>
      %select_n3A_551 = arith.select %gt3A_547, %add3A_533, %select_n3A_527 : vector<16xi1>, vector<16xi32>
      %scan3A_552 = arith.constant 10 : i32
      %scan3A_553 = arith.addi %scan3A_310, %scan3A_552 : i32
      %mul3A_554 = arith.constant 16 : i32
      %mul3A_555 = arith.muli %scan3A_553, %mul3A_554 : i32
      %add3A_556 = vector.broadcast %mul3A_555 : i32 to vector<16xi32>
      %add3A_557 = arith.addi %iota3A, %add3A_556 : vector<16xi32>
      %mul3A_558 = arith.constant 16 : i32
      %mul3A_559 = arith.muli %scan3A_553, %mul3A_558 : i32
      %get3A_560 = arith.index_cast %mul3A_559 : i32 to index
      %get3A_561 = tpu.vector_load %arg5[%get3A_560] {strides = array<i32>} : memref<100000xf32, #tpu.memory_space<vmem>>, vector<16xf32>,
      %get3A_562 = vector.shape_cast %get3A_561 : vector<16xf32> to vector<16xf32>
      %mul3A_563 = arith.constant 16 : i32
      %mul3A_564 = arith.muli %scan3A_553, %mul3A_563 : i32
      %add3A_565 = arith.constant 50000 : i32
      %add3A_566 = arith.addi %add3A_565, %mul3A_564 : i32
      %get3A_567 = arith.index_cast %add3A_566 : i32 to index
      %get3A_568 = tpu.vector_load %arg5[%get3A_567] {strides = array<i32>} : memref<100000xf32, #tpu.memory_space<vmem>>, vector<16xf32>,
      %get3A_569 = vector.shape_cast %get3A_568 : vector<16xf32> to vector<16xf32>
      %gt3A_570 = arith.cmpf ogt, %get3A_562, %select_n3A_548 : vector<16xf32>
      %gt3A_571 = arith.cmpf ogt, %get3A_569, %select_n3A_550 : vector<16xf32>
      %select_n3A_572 = arith.select %gt3A_570, %get3A_562, %select_n3A_548 : vector<16xi1>, vector<16xf32>
      %select_n3A_573 = arith.select %gt3A_570, %add3A_557, %select_n3A_549 : vector<16xi1>, vector<16xi32>
      %select_n3A_574 = arith.select %gt3A_571, %get3A_569, %select_n3A_550 : vector<16xi1>, vector<16xf32>
      %select_n3A_575 = arith.select %gt3A_571, %add3A_557, %select_n3A_551 : vector<16xi1>, vector<16xi32>
      %scan3A_576 = arith.constant 11 : i32
      %scan3A_577 = arith.addi %scan3A_310, %scan3A_576 : i32
      %mul3A_578 = arith.constant 16 : i32
      %mul3A_579 = arith.muli %scan3A_577, %mul3A_578 : i32
      %add3A_580 = vector.broadcast %mul3A_579 : i32 to vector<16xi32>
      %add3A_581 = arith.addi %iota3A, %add3A_580 : vector<16xi32>
      %mul3A_582 = arith.constant 16 : i32
      %mul3A_583 = arith.muli %scan3A_577, %mul3A_582 : i32
      %get3A_584 = arith.index_cast %mul3A_583 : i32 to index
      %get3A_585 = tpu.vector_load %arg5[%get3A_584] {strides = array<i32>} : memref<100000xf32, #tpu.memory_space<vmem>>, vector<16xf32>,
      %get3A_586 = vector.shape_cast %get3A_585 : vector<16xf32> to vector<16xf32>
      %mul3A_587 = arith.constant 16 : i32
      %mul3A_588 = arith.muli %scan3A_577, %mul3A_587 : i32
      %add3A_589 = arith.constant 50000 : i32
      %add3A_590 = arith.addi %add3A_589, %mul3A_588 : i32
      %get3A_591 = arith.index_cast %add3A_590 : i32 to index
      %get3A_592 = tpu.vector_load %arg5[%get3A_591] {strides = array<i32>} : memref<100000xf32, #tpu.memory_space<vmem>>, vector<16xf32>,
      %get3A_593 = vector.shape_cast %get3A_592 : vector<16xf32> to vector<16xf32>
      %gt3A_594 = arith.cmpf ogt, %get3A_586, %select_n3A_572 : vector<16xf32>
      %gt3A_595 = arith.cmpf ogt, %get3A_593, %select_n3A_574 : vector<16xf32>
      %select_n3A_596 = arith.select %gt3A_594, %get3A_586, %select_n3A_572 : vector<16xi1>, vector<16xf32>
      %select_n3A_597 = arith.select %gt3A_594, %add3A_581, %select_n3A_573 : vector<16xi1>, vector<16xi32>
      %select_n3A_598 = arith.select %gt3A_595, %get3A_593, %select_n3A_574 : vector<16xi1>, vector<16xf32>
      %select_n3A_599 = arith.select %gt3A_595, %add3A_581, %select_n3A_575 : vector<16xi1>, vector<16xi32>
      %scan3A_600 = arith.constant 12 : i32
      %scan3A_601 = arith.addi %scan3A_310, %scan3A_600 : i32
      %mul3A_602 = arith.constant 16 : i32
      %mul3A_603 = arith.muli %scan3A_601, %mul3A_602 : i32
      %add3A_604 = vector.broadcast %mul3A_603 : i32 to vector<16xi32>
      %add3A_605 = arith.addi %iota3A, %add3A_604 : vector<16xi32>
      %mul3A_606 = arith.constant 16 : i32
      %mul3A_607 = arith.muli %scan3A_601, %mul3A_606 : i32
      %get3A_608 = arith.index_cast %mul3A_607 : i32 to index
      %get3A_609 = tpu.vector_load %arg5[%get3A_608] {strides = array<i32>} : memref<100000xf32, #tpu.memory_space<vmem>>, vector<16xf32>,
      %get3A_610 = vector.shape_cast %get3A_609 : vector<16xf32> to vector<16xf32>
      %mul3A_611 = arith.constant 16 : i32
      %mul3A_612 = arith.muli %scan3A_601, %mul3A_611 : i32
      %add3A_613 = arith.constant 50000 : i32
      %add3A_614 = arith.addi %add3A_613, %mul3A_612 : i32
      %get3A_615 = arith.index_cast %add3A_614 : i32 to index
      %get3A_616 = tpu.vector_load %arg5[%get3A_615] {strides = array<i32>} : memref<100000xf32, #tpu.memory_space<vmem>>, vector<16xf32>,
      %get3A_617 = vector.shape_cast %get3A_616 : vector<16xf32> to vector<16xf32>
      %gt3A_618 = arith.cmpf ogt, %get3A_610, %select_n3A_596 : vector<16xf32>
      %gt3A_619 = arith.cmpf ogt, %get3A_617, %select_n3A_598 : vector<16xf32>
      %select_n3A_620 = arith.select %gt3A_618, %get3A_610, %select_n3A_596 : vector<16xi1>, vector<16xf32>
      %select_n3A_621 = arith.select %gt3A_618, %add3A_605, %select_n3A_597 : vector<16xi1>, vector<16xi32>
      %select_n3A_622 = arith.select %gt3A_619, %get3A_617, %select_n3A_598 : vector<16xi1>, vector<16xf32>
      %select_n3A_623 = arith.select %gt3A_619, %add3A_605, %select_n3A_599 : vector<16xi1>, vector<16xi32>
      %scan3A_624 = arith.constant 13 : i32
      %scan3A_625 = arith.addi %scan3A_310, %scan3A_624 : i32
      %mul3A_626 = arith.constant 16 : i32
      %mul3A_627 = arith.muli %scan3A_625, %mul3A_626 : i32
      %add3A_628 = vector.broadcast %mul3A_627 : i32 to vector<16xi32>
      %add3A_629 = arith.addi %iota3A, %add3A_628 : vector<16xi32>
      %mul3A_630 = arith.constant 16 : i32
      %mul3A_631 = arith.muli %scan3A_625, %mul3A_630 : i32
      %get3A_632 = arith.index_cast %mul3A_631 : i32 to index
      %get3A_633 = tpu.vector_load %arg5[%get3A_632] {strides = array<i32>} : memref<100000xf32, #tpu.memory_space<vmem>>, vector<16xf32>,
      %get3A_634 = vector.shape_cast %get3A_633 : vector<16xf32> to vector<16xf32>
      %mul3A_635 = arith.constant 16 : i32
      %mul3A_636 = arith.muli %scan3A_625, %mul3A_635 : i32
      %add3A_637 = arith.constant 50000 : i32
      %add3A_638 = arith.addi %add3A_637, %mul3A_636 : i32
      %get3A_639 = arith.index_cast %add3A_638 : i32 to index
      %get3A_640 = tpu.vector_load %arg5[%get3A_639] {strides = array<i32>} : memref<100000xf32, #tpu.memory_space<vmem>>, vector<16xf32>,
      %get3A_641 = vector.shape_cast %get3A_640 : vector<16xf32> to vector<16xf32>
      %gt3A_642 = arith.cmpf ogt, %get3A_634, %select_n3A_620 : vector<16xf32>
      %gt3A_643 = arith.cmpf ogt, %get3A_641, %select_n3A_622 : vector<16xf32>
      %select_n3A_644 = arith.select %gt3A_642, %get3A_634, %select_n3A_620 : vector<16xi1>, vector<16xf32>
      %select_n3A_645 = arith.select %gt3A_642, %add3A_629, %select_n3A_621 : vector<16xi1>, vector<16xi32>
      %select_n3A_646 = arith.select %gt3A_643, %get3A_641, %select_n3A_622 : vector<16xi1>, vector<16xf32>
      %select_n3A_647 = arith.select %gt3A_643, %add3A_629, %select_n3A_623 : vector<16xi1>, vector<16xi32>
      %scan3A_648 = arith.constant 14 : i32
      %scan3A_649 = arith.addi %scan3A_310, %scan3A_648 : i32
      %mul3A_650 = arith.constant 16 : i32
      %mul3A_651 = arith.muli %scan3A_649, %mul3A_650 : i32
      %add3A_652 = vector.broadcast %mul3A_651 : i32 to vector<16xi32>
      %add3A_653 = arith.addi %iota3A, %add3A_652 : vector<16xi32>
      %mul3A_654 = arith.constant 16 : i32
      %mul3A_655 = arith.muli %scan3A_649, %mul3A_654 : i32
      %get3A_656 = arith.index_cast %mul3A_655 : i32 to index
      %get3A_657 = tpu.vector_load %arg5[%get3A_656] {strides = array<i32>} : memref<100000xf32, #tpu.memory_space<vmem>>, vector<16xf32>,
      %get3A_658 = vector.shape_cast %get3A_657 : vector<16xf32> to vector<16xf32>
      %mul3A_659 = arith.constant 16 : i32
      %mul3A_660 = arith.muli %scan3A_649, %mul3A_659 : i32
      %add3A_661 = arith.constant 50000 : i32
      %add3A_662 = arith.addi %add3A_661, %mul3A_660 : i32
      %get3A_663 = arith.index_cast %add3A_662 : i32 to index
      %get3A_664 = tpu.vector_load %arg5[%get3A_663] {strides = array<i32>} : memref<100000xf32, #tpu.memory_space<vmem>>, vector<16xf32>,
      %get3A_665 = vector.shape_cast %get3A_664 : vector<16xf32> to vector<16xf32>
      %gt3A_666 = arith.cmpf ogt, %get3A_658, %select_n3A_644 : vector<16xf32>
      %gt3A_667 = arith.cmpf ogt, %get3A_665, %select_n3A_646 : vector<16xf32>
      %select_n3A_668 = arith.select %gt3A_666, %get3A_658, %select_n3A_644 : vector<16xi1>, vector<16xf32>
      %select_n3A_669 = arith.select %gt3A_666, %add3A_653, %select_n3A_645 : vector<16xi1>, vector<16xi32>
      %select_n3A_670 = arith.select %gt3A_667, %get3A_665, %select_n3A_646 : vector<16xi1>, vector<16xf32>
      %select_n3A_671 = arith.select %gt3A_667, %add3A_653, %select_n3A_647 : vector<16xi1>, vector<16xi32>
      %scan3A_672 = arith.constant 15 : i32
      %scan3A_673 = arith.addi %scan3A_310, %scan3A_672 : i32
      %mul3A_674 = arith.constant 16 : i32
      %mul3A_675 = arith.muli %scan3A_673, %mul3A_674 : i32
      %add3A_676 = vector.broadcast %mul3A_675 : i32 to vector<16xi32>
      %add3A_677 = arith.addi %iota3A, %add3A_676 : vector<16xi32>
      %mul3A_678 = arith.constant 16 : i32
      %mul3A_679 = arith.muli %scan3A_673, %mul3A_678 : i32
      %get3A_680 = arith.index_cast %mul3A_679 : i32 to index
      %get3A_681 = tpu.vector_load %arg5[%get3A_680] {strides = array<i32>} : memref<100000xf32, #tpu.memory_space<vmem>>, vector<16xf32>,
      %get3A_682 = vector.shape_cast %get3A_681 : vector<16xf32> to vector<16xf32>
      %mul3A_683 = arith.constant 16 : i32
      %mul3A_684 = arith.muli %scan3A_673, %mul3A_683 : i32
      %add3A_685 = arith.constant 50000 : i32
      %add3A_686 = arith.addi %add3A_685, %mul3A_684 : i32
      %get3A_687 = arith.index_cast %add3A_686 : i32 to index
      %get3A_688 = tpu.vector_load %arg5[%get3A_687] {strides = array<i32>} : memref<100000xf32, #tpu.memory_space<vmem>>, vector<16xf32>,
      %get3A_689 = vector.shape_cast %get3A_688 : vector<16xf32> to vector<16xf32>
      %gt3A_690 = arith.cmpf ogt, %get3A_682, %select_n3A_668 : vector<16xf32>
      %gt3A_691 = arith.cmpf ogt, %get3A_689, %select_n3A_670 : vector<16xf32>
      %select_n3A_692 = arith.select %gt3A_690, %get3A_682, %select_n3A_668 : vector<16xi1>, vector<16xf32>
      %select_n3A_693 = arith.select %gt3A_690, %add3A_677, %select_n3A_669 : vector<16xi1>, vector<16xi32>
      %select_n3A_694 = arith.select %gt3A_691, %get3A_689, %select_n3A_670 : vector<16xi1>, vector<16xf32>
      %select_n3A_695 = arith.select %gt3A_691, %add3A_677, %select_n3A_671 : vector<16xi1>, vector<16xi32>
      %scan3A_696 = arith.constant 16 : i32
      %scan3A_697 = arith.addi %scan3A_310, %scan3A_696 : i32
      %mul3A_698 = arith.constant 16 : i32
      %mul3A_699 = arith.muli %scan3A_697, %mul3A_698 : i32
      %add3A_700 = vector.broadcast %mul3A_699 : i32 to vector<16xi32>
      %add3A_701 = arith.addi %iota3A, %add3A_700 : vector<16xi32>
      %mul3A_702 = arith.constant 16 : i32
      %mul3A_703 = arith.muli %scan3A_697, %mul3A_702 : i32
      %get3A_704 = arith.index_cast %mul3A_703 : i32 to index
      %get3A_705 = tpu.vector_load %arg5[%get3A_704] {strides = array<i32>} : memref<100000xf32, #tpu.memory_space<vmem>>, vector<16xf32>,
      %get3A_706 = vector.shape_cast %get3A_705 : vector<16xf32> to vector<16xf32>
      %mul3A_707 = arith.constant 16 : i32
      %mul3A_708 = arith.muli %scan3A_697, %mul3A_707 : i32
      %add3A_709 = arith.constant 50000 : i32
      %add3A_710 = arith.addi %add3A_709, %mul3A_708 : i32
      %get3A_711 = arith.index_cast %add3A_710 : i32 to index
      %get3A_712 = tpu.vector_load %arg5[%get3A_711] {strides = array<i32>} : memref<100000xf32, #tpu.memory_space<vmem>>, vector<16xf32>,
      %get3A_713 = vector.shape_cast %get3A_712 : vector<16xf32> to vector<16xf32>
      %gt3A_714 = arith.cmpf ogt, %get3A_706, %select_n3A_692 : vector<16xf32>
      %gt3A_715 = arith.cmpf ogt, %get3A_713, %select_n3A_694 : vector<16xf32>
      %select_n3A_716 = arith.select %gt3A_714, %get3A_706, %select_n3A_692 : vector<16xi1>, vector<16xf32>
      %select_n3A_717 = arith.select %gt3A_714, %add3A_701, %select_n3A_693 : vector<16xi1>, vector<16xi32>
      %select_n3A_718 = arith.select %gt3A_715, %get3A_713, %select_n3A_694 : vector<16xi1>, vector<16xf32>
      %select_n3A_719 = arith.select %gt3A_715, %add3A_701, %select_n3A_695 : vector<16xi1>, vector<16xi32>
      %scan3A_720 = arith.constant 17 : i32
      %scan3A_721 = arith.addi %scan3A_310, %scan3A_720 : i32
      %mul3A_722 = arith.constant 16 : i32
      %mul3A_723 = arith.muli %scan3A_721, %mul3A_722 : i32
      %add3A_724 = vector.broadcast %mul3A_723 : i32 to vector<16xi32>
      %add3A_725 = arith.addi %iota3A, %add3A_724 : vector<16xi32>
      %mul3A_726 = arith.constant 16 : i32
      %mul3A_727 = arith.muli %scan3A_721, %mul3A_726 : i32
      %get3A_728 = arith.index_cast %mul3A_727 : i32 to index
      %get3A_729 = tpu.vector_load %arg5[%get3A_728] {strides = array<i32>} : memref<100000xf32, #tpu.memory_space<vmem>>, vector<16xf32>,
      %get3A_730 = vector.shape_cast %get3A_729 : vector<16xf32> to vector<16xf32>
      %mul3A_731 = arith.constant 16 : i32
      %mul3A_732 = arith.muli %scan3A_721, %mul3A_731 : i32
      %add3A_733 = arith.constant 50000 : i32
      %add3A_734 = arith.addi %add3A_733, %mul3A_732 : i32
      %get3A_735 = arith.index_cast %add3A_734 : i32 to index
      %get3A_736 = tpu.vector_load %arg5[%get3A_735] {strides = array<i32>} : memref<100000xf32, #tpu.memory_space<vmem>>, vector<16xf32>,
      %get3A_737 = vector.shape_cast %get3A_736 : vector<16xf32> to vector<16xf32>
      %gt3A_738 = arith.cmpf ogt, %get3A_730, %select_n3A_716 : vector<16xf32>
      %gt3A_739 = arith.cmpf ogt, %get3A_737, %select_n3A_718 : vector<16xf32>
      %select_n3A_740 = arith.select %gt3A_738, %get3A_730, %select_n3A_716 : vector<16xi1>, vector<16xf32>
      %select_n3A_741 = arith.select %gt3A_738, %add3A_725, %select_n3A_717 : vector<16xi1>, vector<16xi32>
      %select_n3A_742 = arith.select %gt3A_739, %get3A_737, %select_n3A_718 : vector<16xi1>, vector<16xf32>
      %select_n3A_743 = arith.select %gt3A_739, %add3A_725, %select_n3A_719 : vector<16xi1>, vector<16xi32>
      %scan3A_744 = arith.constant 18 : i32
      %scan3A_745 = arith.addi %scan3A_310, %scan3A_744 : i32
      %mul3A_746 = arith.constant 16 : i32
      %mul3A_747 = arith.muli %scan3A_745, %mul3A_746 : i32
      %add3A_748 = vector.broadcast %mul3A_747 : i32 to vector<16xi32>
      %add3A_749 = arith.addi %iota3A, %add3A_748 : vector<16xi32>
      %mul3A_750 = arith.constant 16 : i32
      %mul3A_751 = arith.muli %scan3A_745, %mul3A_750 : i32
      %get3A_752 = arith.index_cast %mul3A_751 : i32 to index
      %get3A_753 = tpu.vector_load %arg5[%get3A_752] {strides = array<i32>} : memref<100000xf32, #tpu.memory_space<vmem>>, vector<16xf32>,
      %get3A_754 = vector.shape_cast %get3A_753 : vector<16xf32> to vector<16xf32>
      %mul3A_755 = arith.constant 16 : i32
      %mul3A_756 = arith.muli %scan3A_745, %mul3A_755 : i32
      %add3A_757 = arith.constant 50000 : i32
      %add3A_758 = arith.addi %add3A_757, %mul3A_756 : i32
      %get3A_759 = arith.index_cast %add3A_758 : i32 to index
      %get3A_760 = tpu.vector_load %arg5[%get3A_759] {strides = array<i32>} : memref<100000xf32, #tpu.memory_space<vmem>>, vector<16xf32>,
      %get3A_761 = vector.shape_cast %get3A_760 : vector<16xf32> to vector<16xf32>
      %gt3A_762 = arith.cmpf ogt, %get3A_754, %select_n3A_740 : vector<16xf32>
      %gt3A_763 = arith.cmpf ogt, %get3A_761, %select_n3A_742 : vector<16xf32>
      %select_n3A_764 = arith.select %gt3A_762, %get3A_754, %select_n3A_740 : vector<16xi1>, vector<16xf32>
      %select_n3A_765 = arith.select %gt3A_762, %add3A_749, %select_n3A_741 : vector<16xi1>, vector<16xi32>
      %select_n3A_766 = arith.select %gt3A_763, %get3A_761, %select_n3A_742 : vector<16xi1>, vector<16xf32>
      %select_n3A_767 = arith.select %gt3A_763, %add3A_749, %select_n3A_743 : vector<16xi1>, vector<16xi32>
      %scan3A_768 = arith.constant 19 : i32
      %scan3A_769 = arith.addi %scan3A_310, %scan3A_768 : i32
      %mul3A_770 = arith.constant 16 : i32
      %mul3A_771 = arith.muli %scan3A_769, %mul3A_770 : i32
      %add3A_772 = vector.broadcast %mul3A_771 : i32 to vector<16xi32>
      %add3A_773 = arith.addi %iota3A, %add3A_772 : vector<16xi32>
      %mul3A_774 = arith.constant 16 : i32
      %mul3A_775 = arith.muli %scan3A_769, %mul3A_774 : i32
      %get3A_776 = arith.index_cast %mul3A_775 : i32 to index
      %get3A_777 = tpu.vector_load %arg5[%get3A_776] {strides = array<i32>} : memref<100000xf32, #tpu.memory_space<vmem>>, vector<16xf32>,
      %get3A_778 = vector.shape_cast %get3A_777 : vector<16xf32> to vector<16xf32>
      %mul3A_779 = arith.constant 16 : i32
      %mul3A_780 = arith.muli %scan3A_769, %mul3A_779 : i32
      %add3A_781 = arith.constant 50000 : i32
      %add3A_782 = arith.addi %add3A_781, %mul3A_780 : i32
      %get3A_783 = arith.index_cast %add3A_782 : i32 to index
      %get3A_784 = tpu.vector_load %arg5[%get3A_783] {strides = array<i32>} : memref<100000xf32, #tpu.memory_space<vmem>>, vector<16xf32>,
      %get3A_785 = vector.shape_cast %get3A_784 : vector<16xf32> to vector<16xf32>
      %gt3A_786 = arith.cmpf ogt, %get3A_778, %select_n3A_764 : vector<16xf32>
      %gt3A_787 = arith.cmpf ogt, %get3A_785, %select_n3A_766 : vector<16xf32>
      %select_n3A_788 = arith.select %gt3A_786, %get3A_778, %select_n3A_764 : vector<16xi1>, vector<16xf32>
      %select_n3A_789 = arith.select %gt3A_786, %add3A_773, %select_n3A_765 : vector<16xi1>, vector<16xi32>
      %select_n3A_790 = arith.select %gt3A_787, %get3A_785, %select_n3A_766 : vector<16xi1>, vector<16xf32>
      %select_n3A_791 = arith.select %gt3A_787, %add3A_773, %select_n3A_767 : vector<16xi1>, vector<16xi32>
      %scan3A_792 = arith.constant 20 : i32
      %scan3A_793 = arith.addi %scan3A_310, %scan3A_792 : i32
      %mul3A_794 = arith.constant 16 : i32
      %mul3A_795 = arith.muli %scan3A_793, %mul3A_794 : i32
      %add3A_796 = vector.broadcast %mul3A_795 : i32 to vector<16xi32>
      %add3A_797 = arith.addi %iota3A, %add3A_796 : vector<16xi32>
      %mul3A_798 = arith.constant 16 : i32
      %mul3A_799 = arith.muli %scan3A_793, %mul3A_798 : i32
      %get3A_800 = arith.index_cast %mul3A_799 : i32 to index
      %get3A_801 = tpu.vector_load %arg5[%get3A_800] {strides = array<i32>} : memref<100000xf32, #tpu.memory_space<vmem>>, vector<16xf32>,
      %get3A_802 = vector.shape_cast %get3A_801 : vector<16xf32> to vector<16xf32>
      %mul3A_803 = arith.constant 16 : i32
      %mul3A_804 = arith.muli %scan3A_793, %mul3A_803 : i32
      %add3A_805 = arith.constant 50000 : i32
      %add3A_806 = arith.addi %add3A_805, %mul3A_804 : i32
      %get3A_807 = arith.index_cast %add3A_806 : i32 to index
      %get3A_808 = tpu.vector_load %arg5[%get3A_807] {strides = array<i32>} : memref<100000xf32, #tpu.memory_space<vmem>>, vector<16xf32>,
      %get3A_809 = vector.shape_cast %get3A_808 : vector<16xf32> to vector<16xf32>
      %gt3A_810 = arith.cmpf ogt, %get3A_802, %select_n3A_788 : vector<16xf32>
      %gt3A_811 = arith.cmpf ogt, %get3A_809, %select_n3A_790 : vector<16xf32>
      %select_n3A_812 = arith.select %gt3A_810, %get3A_802, %select_n3A_788 : vector<16xi1>, vector<16xf32>
      %select_n3A_813 = arith.select %gt3A_810, %add3A_797, %select_n3A_789 : vector<16xi1>, vector<16xi32>
      %select_n3A_814 = arith.select %gt3A_811, %get3A_809, %select_n3A_790 : vector<16xi1>, vector<16xf32>
      %select_n3A_815 = arith.select %gt3A_811, %add3A_797, %select_n3A_791 : vector<16xi1>, vector<16xi32>
      %scan3A_816 = arith.constant 21 : i32
      %scan3A_817 = arith.addi %scan3A_310, %scan3A_816 : i32
      %mul3A_818 = arith.constant 16 : i32
      %mul3A_819 = arith.muli %scan3A_817, %mul3A_818 : i32
      %add3A_820 = vector.broadcast %mul3A_819 : i32 to vector<16xi32>
      %add3A_821 = arith.addi %iota3A, %add3A_820 : vector<16xi32>
      %mul3A_822 = arith.constant 16 : i32
      %mul3A_823 = arith.muli %scan3A_817, %mul3A_822 : i32
      %get3A_824 = arith.index_cast %mul3A_823 : i32 to index
      %get3A_825 = tpu.vector_load %arg5[%get3A_824] {strides = array<i32>} : memref<100000xf32, #tpu.memory_space<vmem>>, vector<16xf32>,
      %get3A_826 = vector.shape_cast %get3A_825 : vector<16xf32> to vector<16xf32>
      %mul3A_827 = arith.constant 16 : i32
      %mul3A_828 = arith.muli %scan3A_817, %mul3A_827 : i32
      %add3A_829 = arith.constant 50000 : i32
      %add3A_830 = arith.addi %add3A_829, %mul3A_828 : i32
      %get3A_831 = arith.index_cast %add3A_830 : i32 to index
      %get3A_832 = tpu.vector_load %arg5[%get3A_831] {strides = array<i32>} : memref<100000xf32, #tpu.memory_space<vmem>>, vector<16xf32>,
      %get3A_833 = vector.shape_cast %get3A_832 : vector<16xf32> to vector<16xf32>
      %gt3A_834 = arith.cmpf ogt, %get3A_826, %select_n3A_812 : vector<16xf32>
      %gt3A_835 = arith.cmpf ogt, %get3A_833, %select_n3A_814 : vector<16xf32>
      %select_n3A_836 = arith.select %gt3A_834, %get3A_826, %select_n3A_812 : vector<16xi1>, vector<16xf32>
      %select_n3A_837 = arith.select %gt3A_834, %add3A_821, %select_n3A_813 : vector<16xi1>, vector<16xi32>
      %select_n3A_838 = arith.select %gt3A_835, %get3A_833, %select_n3A_814 : vector<16xi1>, vector<16xf32>
      %select_n3A_839 = arith.select %gt3A_835, %add3A_821, %select_n3A_815 : vector<16xi1>, vector<16xi32>
      %scan3A_840 = arith.constant 22 : i32
      %scan3A_841 = arith.addi %scan3A_310, %scan3A_840 : i32
      %mul3A_842 = arith.constant 16 : i32
      %mul3A_843 = arith.muli %scan3A_841, %mul3A_842 : i32
      %add3A_844 = vector.broadcast %mul3A_843 : i32 to vector<16xi32>
      %add3A_845 = arith.addi %iota3A, %add3A_844 : vector<16xi32>
      %mul3A_846 = arith.constant 16 : i32
      %mul3A_847 = arith.muli %scan3A_841, %mul3A_846 : i32
      %get3A_848 = arith.index_cast %mul3A_847 : i32 to index
      %get3A_849 = tpu.vector_load %arg5[%get3A_848] {strides = array<i32>} : memref<100000xf32, #tpu.memory_space<vmem>>, vector<16xf32>,
      %get3A_850 = vector.shape_cast %get3A_849 : vector<16xf32> to vector<16xf32>
      %mul3A_851 = arith.constant 16 : i32
      %mul3A_852 = arith.muli %scan3A_841, %mul3A_851 : i32
      %add3A_853 = arith.constant 50000 : i32
      %add3A_854 = arith.addi %add3A_853, %mul3A_852 : i32
      %get3A_855 = arith.index_cast %add3A_854 : i32 to index
      %get3A_856 = tpu.vector_load %arg5[%get3A_855] {strides = array<i32>} : memref<100000xf32, #tpu.memory_space<vmem>>, vector<16xf32>,
      %get3A_857 = vector.shape_cast %get3A_856 : vector<16xf32> to vector<16xf32>
      %gt3A_858 = arith.cmpf ogt, %get3A_850, %select_n3A_836 : vector<16xf32>
      %gt3A_859 = arith.cmpf ogt, %get3A_857, %select_n3A_838 : vector<16xf32>
      %select_n3A_860 = arith.select %gt3A_858, %get3A_850, %select_n3A_836 : vector<16xi1>, vector<16xf32>
      %select_n3A_861 = arith.select %gt3A_858, %add3A_845, %select_n3A_837 : vector<16xi1>, vector<16xi32>
      %select_n3A_862 = arith.select %gt3A_859, %get3A_857, %select_n3A_838 : vector<16xi1>, vector<16xf32>
      %select_n3A_863 = arith.select %gt3A_859, %add3A_845, %select_n3A_839 : vector<16xi1>, vector<16xi32>
      %scan3A_864 = arith.constant 23 : i32
      %scan3A_865 = arith.addi %scan3A_310, %scan3A_864 : i32
      %mul3A_866 = arith.constant 16 : i32
      %mul3A_867 = arith.muli %scan3A_865, %mul3A_866 : i32
      %add3A_868 = vector.broadcast %mul3A_867 : i32 to vector<16xi32>
      %add3A_869 = arith.addi %iota3A, %add3A_868 : vector<16xi32>
      %mul3A_870 = arith.constant 16 : i32
      %mul3A_871 = arith.muli %scan3A_865, %mul3A_870 : i32
      %get3A_872 = arith.index_cast %mul3A_871 : i32 to index
      %get3A_873 = tpu.vector_load %arg5[%get3A_872] {strides = array<i32>} : memref<100000xf32, #tpu.memory_space<vmem>>, vector<16xf32>,
      %get3A_874 = vector.shape_cast %get3A_873 : vector<16xf32> to vector<16xf32>
      %mul3A_875 = arith.constant 16 : i32
      %mul3A_876 = arith.muli %scan3A_865, %mul3A_875 : i32
      %add3A_877 = arith.constant 50000 : i32
      %add3A_878 = arith.addi %add3A_877, %mul3A_876 : i32
      %get3A_879 = arith.index_cast %add3A_878 : i32 to index
      %get3A_880 = tpu.vector_load %arg5[%get3A_879] {strides = array<i32>} : memref<100000xf32, #tpu.memory_space<vmem>>, vector<16xf32>,
      %get3A_881 = vector.shape_cast %get3A_880 : vector<16xf32> to vector<16xf32>
      %gt3A_882 = arith.cmpf ogt, %get3A_874, %select_n3A_860 : vector<16xf32>
      %gt3A_883 = arith.cmpf ogt, %get3A_881, %select_n3A_862 : vector<16xf32>
      %select_n3A_884 = arith.select %gt3A_882, %get3A_874, %select_n3A_860 : vector<16xi1>, vector<16xf32>
      %select_n3A_885 = arith.select %gt3A_882, %add3A_869, %select_n3A_861 : vector<16xi1>, vector<16xi32>
      %select_n3A_886 = arith.select %gt3A_883, %get3A_881, %select_n3A_862 : vector<16xi1>, vector<16xf32>
      %select_n3A_887 = arith.select %gt3A_883, %add3A_869, %select_n3A_863 : vector<16xi1>, vector<16xi32>
      %scan3A_888 = arith.constant 24 : i32
      %scan3A_889 = arith.addi %scan3A_310, %scan3A_888 : i32
      %mul3A_890 = arith.constant 16 : i32
      %mul3A_891 = arith.muli %scan3A_889, %mul3A_890 : i32
      %add3A_892 = vector.broadcast %mul3A_891 : i32 to vector<16xi32>
      %add3A_893 = arith.addi %iota3A, %add3A_892 : vector<16xi32>
      %mul3A_894 = arith.constant 16 : i32
      %mul3A_895 = arith.muli %scan3A_889, %mul3A_894 : i32
      %get3A_896 = arith.index_cast %mul3A_895 : i32 to index
      %get3A_897 = tpu.vector_load %arg5[%get3A_896] {strides = array<i32>} : memref<100000xf32, #tpu.memory_space<vmem>>, vector<16xf32>,
      %get3A_898 = vector.shape_cast %get3A_897 : vector<16xf32> to vector<16xf32>
      %mul3A_899 = arith.constant 16 : i32
      %mul3A_900 = arith.muli %scan3A_889, %mul3A_899 : i32
      %add3A_901 = arith.constant 50000 : i32
      %add3A_902 = arith.addi %add3A_901, %mul3A_900 : i32
      %get3A_903 = arith.index_cast %add3A_902 : i32 to index
      %get3A_904 = tpu.vector_load %arg5[%get3A_903] {strides = array<i32>} : memref<100000xf32, #tpu.memory_space<vmem>>, vector<16xf32>,
      %get3A_905 = vector.shape_cast %get3A_904 : vector<16xf32> to vector<16xf32>
      %gt3A_906 = arith.cmpf ogt, %get3A_898, %select_n3A_884 : vector<16xf32>
      %gt3A_907 = arith.cmpf ogt, %get3A_905, %select_n3A_886 : vector<16xf32>
      %select_n3A_908 = arith.select %gt3A_906, %get3A_898, %select_n3A_884 : vector<16xi1>, vector<16xf32>
      %select_n3A_909 = arith.select %gt3A_906, %add3A_893, %select_n3A_885 : vector<16xi1>, vector<16xi32>
      %select_n3A_910 = arith.select %gt3A_907, %get3A_905, %select_n3A_886 : vector<16xi1>, vector<16xf32>
      %select_n3A_911 = arith.select %gt3A_907, %add3A_893, %select_n3A_887 : vector<16xi1>, vector<16xi32>
      scf.yield %select_n3A_908, %select_n3A_909, %select_n3A_910, %select_n3A_911 : vector<16xf32>, vector<16xi32>, vector<16xf32>, vector<16xi32>
    }
    %scan3A_169 = arith.constant 3125 : i32
    %gt3A_170 = arith.cmpf ogt, %scan3A_168#2, %scan3A_168#0 : vector<16xf32>
    %select_n3A_171 = arith.select %gt3A_170, %scan3A_168#2, %scan3A_168#0 : vector<16xi1>, vector<16xf32>
    %add3A_172 = arith.constant 50000 : i32
    %add3A_173 = vector.broadcast %add3A_172 : i32 to vector<16xi32>
    %add3A_174 = arith.addi %scan3A_168#3, %add3A_173 : vector<16xi32>
    %select_n3A_175 = arith.select %gt3A_170, %add3A_174, %scan3A_168#1 : vector<16xi1>, vector<16xi32>
    %xor3A_176 = arith.constant 8 : i32
    %xor3A_177 = vector.broadcast %xor3A_176 : i32 to vector<16xi32>
    %xor3A_178 = arith.xori %iota3A, %xor3A_177 : vector<16xi32>
    %lt3A_179 = arith.constant 0 : i32
    %lt3A_180 = vector.broadcast %lt3A_179 : i32 to vector<16xi32>
    %lt3A_181 = arith.cmpi slt, %xor3A_178, %lt3A_180 : vector<16xi32>
    %add3A_182 = arith.constant 16 : i32
    %add3A_183 = vector.broadcast %add3A_182 : i32 to vector<16xi32>
    %add3A_184 = arith.addi %xor3A_178, %add3A_183 : vector<16xi32>
    %select_n3A_185 = arith.select %lt3A_181, %add3A_184, %xor3A_178 : vector<16xi1>, vector<16xi32>
    %broadcast_in_dim3A_186 = vector.shape_cast %select_n3A_185 : vector<16xi32> to vector<16x1xi32>
    %gather3A_187 = vector.shape_cast %broadcast_in_dim3A_186 : vector<16x1xi32> to vector<16xi32>
    %gather3A_188 = tpu.dynamic_gather %select_n3A_171[%gather3A_187] in [0] : vector<16xf32>, vector<16xi32> -> vector<16xf32>
    %lt3A_189 = arith.constant 0 : i32
    %lt3A_190 = vector.broadcast %lt3A_189 : i32 to vector<16xi32>
    %lt3A_191 = arith.cmpi slt, %xor3A_178, %lt3A_190 : vector<16xi32>
    %add3A_192 = arith.constant 16 : i32
    %add3A_193 = vector.broadcast %add3A_192 : i32 to vector<16xi32>
    %add3A_194 = arith.addi %xor3A_178, %add3A_193 : vector<16xi32>
    %select_n3A_195 = arith.select %lt3A_191, %add3A_194, %xor3A_178 : vector<16xi1>, vector<16xi32>
    %broadcast_in_dim3A_196 = vector.shape_cast %select_n3A_195 : vector<16xi32> to vector<16x1xi32>
    %gather3A_197 = vector.shape_cast %broadcast_in_dim3A_196 : vector<16x1xi32> to vector<16xi32>
    %gather3A_198 = tpu.dynamic_gather %select_n3A_175[%gather3A_197] in [0] : vector<16xi32>, vector<16xi32> -> vector<16xi32>
    %gt3A_199 = arith.cmpf ogt, %gather3A_188, %select_n3A_171 : vector<16xf32>
    %eq3A_200 = arith.cmpf oeq, %gather3A_188, %select_n3A_171 : vector<16xf32>
    %lt3A_201 = arith.cmpi slt, %gather3A_198, %select_n3A_175 : vector<16xi32>
    %and3A_202 = arith.andi %eq3A_200, %lt3A_201 : vector<16xi1>
    %or3A_203 = arith.ori %gt3A_199, %and3A_202 : vector<16xi1>
    %select_n3A_204 = arith.select %or3A_203, %gather3A_188, %select_n3A_171 : vector<16xi1>, vector<16xf32>
    %select_n3A_205 = arith.select %or3A_203, %gather3A_198, %select_n3A_175 : vector<16xi1>, vector<16xi32>
    %xor3A_206 = arith.constant 4 : i32
    %xor3A_207 = vector.broadcast %xor3A_206 : i32 to vector<16xi32>
    %xor3A_208 = arith.xori %iota3A, %xor3A_207 : vector<16xi32>
    %lt3A_209 = arith.constant 0 : i32
    %lt3A_210 = vector.broadcast %lt3A_209 : i32 to vector<16xi32>
    %lt3A_211 = arith.cmpi slt, %xor3A_208, %lt3A_210 : vector<16xi32>
    %add3A_212 = arith.constant 16 : i32
    %add3A_213 = vector.broadcast %add3A_212 : i32 to vector<16xi32>
    %add3A_214 = arith.addi %xor3A_208, %add3A_213 : vector<16xi32>
    %select_n3A_215 = arith.select %lt3A_211, %add3A_214, %xor3A_208 : vector<16xi1>, vector<16xi32>
    %broadcast_in_dim3A_216 = vector.shape_cast %select_n3A_215 : vector<16xi32> to vector<16x1xi32>
    %gather3A_217 = vector.shape_cast %broadcast_in_dim3A_216 : vector<16x1xi32> to vector<16xi32>
    %gather3A_218 = tpu.dynamic_gather %select_n3A_204[%gather3A_217] in [0] : vector<16xf32>, vector<16xi32> -> vector<16xf32>
    %lt3A_219 = arith.constant 0 : i32
    %lt3A_220 = vector.broadcast %lt3A_219 : i32 to vector<16xi32>
    %lt3A_221 = arith.cmpi slt, %xor3A_208, %lt3A_220 : vector<16xi32>
    %add3A_222 = arith.constant 16 : i32
    %add3A_223 = vector.broadcast %add3A_222 : i32 to vector<16xi32>
    %add3A_224 = arith.addi %xor3A_208, %add3A_223 : vector<16xi32>
    %select_n3A_225 = arith.select %lt3A_221, %add3A_224, %xor3A_208 : vector<16xi1>, vector<16xi32>
    %broadcast_in_dim3A_226 = vector.shape_cast %select_n3A_225 : vector<16xi32> to vector<16x1xi32>
    %gather3A_227 = vector.shape_cast %broadcast_in_dim3A_226 : vector<16x1xi32> to vector<16xi32>
    %gather3A_228 = tpu.dynamic_gather %select_n3A_205[%gather3A_227] in [0] : vector<16xi32>, vector<16xi32> -> vector<16xi32>
    %gt3A_229 = arith.cmpf ogt, %gather3A_218, %select_n3A_204 : vector<16xf32>
    %eq3A_230 = arith.cmpf oeq, %gather3A_218, %select_n3A_204 : vector<16xf32>
    %lt3A_231 = arith.cmpi slt, %gather3A_228, %select_n3A_205 : vector<16xi32>
    %and3A_232 = arith.andi %eq3A_230, %lt3A_231 : vector<16xi1>
    %or3A_233 = arith.ori %gt3A_229, %and3A_232 : vector<16xi1>
    %select_n3A_234 = arith.select %or3A_233, %gather3A_218, %select_n3A_204 : vector<16xi1>, vector<16xf32>
    %select_n3A_235 = arith.select %or3A_233, %gather3A_228, %select_n3A_205 : vector<16xi1>, vector<16xi32>
    %xor3A_236 = arith.constant 2 : i32
    %xor3A_237 = vector.broadcast %xor3A_236 : i32 to vector<16xi32>
    %xor3A_238 = arith.xori %iota3A, %xor3A_237 : vector<16xi32>
    %lt3A_239 = arith.constant 0 : i32
    %lt3A_240 = vector.broadcast %lt3A_239 : i32 to vector<16xi32>
    %lt3A_241 = arith.cmpi slt, %xor3A_238, %lt3A_240 : vector<16xi32>
    %add3A_242 = arith.constant 16 : i32
    %add3A_243 = vector.broadcast %add3A_242 : i32 to vector<16xi32>
    %add3A_244 = arith.addi %xor3A_238, %add3A_243 : vector<16xi32>
    %select_n3A_245 = arith.select %lt3A_241, %add3A_244, %xor3A_238 : vector<16xi1>, vector<16xi32>
    %broadcast_in_dim3A_246 = vector.shape_cast %select_n3A_245 : vector<16xi32> to vector<16x1xi32>
    %gather3A_247 = vector.shape_cast %broadcast_in_dim3A_246 : vector<16x1xi32> to vector<16xi32>
    %gather3A_248 = tpu.dynamic_gather %select_n3A_234[%gather3A_247] in [0] : vector<16xf32>, vector<16xi32> -> vector<16xf32>
    %lt3A_249 = arith.constant 0 : i32
    %lt3A_250 = vector.broadcast %lt3A_249 : i32 to vector<16xi32>
    %lt3A_251 = arith.cmpi slt, %xor3A_238, %lt3A_250 : vector<16xi32>
    %add3A_252 = arith.constant 16 : i32
    %add3A_253 = vector.broadcast %add3A_252 : i32 to vector<16xi32>
    %add3A_254 = arith.addi %xor3A_238, %add3A_253 : vector<16xi32>
    %select_n3A_255 = arith.select %lt3A_251, %add3A_254, %xor3A_238 : vector<16xi1>, vector<16xi32>
    %broadcast_in_dim3A_256 = vector.shape_cast %select_n3A_255 : vector<16xi32> to vector<16x1xi32>
    %gather3A_257 = vector.shape_cast %broadcast_in_dim3A_256 : vector<16x1xi32> to vector<16xi32>
    %gather3A_258 = tpu.dynamic_gather %select_n3A_235[%gather3A_257] in [0] : vector<16xi32>, vector<16xi32> -> vector<16xi32>
    %gt3A_259 = arith.cmpf ogt, %gather3A_248, %select_n3A_234 : vector<16xf32>
    %eq3A_260 = arith.cmpf oeq, %gather3A_248, %select_n3A_234 : vector<16xf32>
    %lt3A_261 = arith.cmpi slt, %gather3A_258, %select_n3A_235 : vector<16xi32>
    %and3A_262 = arith.andi %eq3A_260, %lt3A_261 : vector<16xi1>
    %or3A_263 = arith.ori %gt3A_259, %and3A_262 : vector<16xi1>
    %select_n3A_264 = arith.select %or3A_263, %gather3A_248, %select_n3A_234 : vector<16xi1>, vector<16xf32>
    %select_n3A_265 = arith.select %or3A_263, %gather3A_258, %select_n3A_235 : vector<16xi1>, vector<16xi32>
    %xor3A_266 = arith.constant 1 : i32
    %xor3A_267 = vector.broadcast %xor3A_266 : i32 to vector<16xi32>
    %xor3A_268 = arith.xori %iota3A, %xor3A_267 : vector<16xi32>
    %lt3A_269 = arith.constant 0 : i32
    %lt3A_270 = vector.broadcast %lt3A_269 : i32 to vector<16xi32>
    %lt3A_271 = arith.cmpi slt, %xor3A_268, %lt3A_270 : vector<16xi32>
    %add3A_272 = arith.constant 16 : i32
    %add3A_273 = vector.broadcast %add3A_272 : i32 to vector<16xi32>
    %add3A_274 = arith.addi %xor3A_268, %add3A_273 : vector<16xi32>
    %select_n3A_275 = arith.select %lt3A_271, %add3A_274, %xor3A_268 : vector<16xi1>, vector<16xi32>
    %broadcast_in_dim3A_276 = vector.shape_cast %select_n3A_275 : vector<16xi32> to vector<16x1xi32>
    %gather3A_277 = vector.shape_cast %broadcast_in_dim3A_276 : vector<16x1xi32> to vector<16xi32>
    %gather3A_278 = tpu.dynamic_gather %select_n3A_264[%gather3A_277] in [0] : vector<16xf32>, vector<16xi32> -> vector<16xf32>
    %lt3A_279 = arith.constant 0 : i32
    %lt3A_280 = vector.broadcast %lt3A_279 : i32 to vector<16xi32>
    %lt3A_281 = arith.cmpi slt, %xor3A_268, %lt3A_280 : vector<16xi32>
    %add3A_282 = arith.constant 16 : i32
    %add3A_283 = vector.broadcast %add3A_282 : i32 to vector<16xi32>
    %add3A_284 = arith.addi %xor3A_268, %add3A_283 : vector<16xi32>
    %select_n3A_285 = arith.select %lt3A_281, %add3A_284, %xor3A_268 : vector<16xi1>, vector<16xi32>
    %broadcast_in_dim3A_286 = vector.shape_cast %select_n3A_285 : vector<16xi32> to vector<16x1xi32>
    %gather3A_287 = vector.shape_cast %broadcast_in_dim3A_286 : vector<16x1xi32> to vector<16xi32>
    %gather3A_288 = tpu.dynamic_gather %select_n3A_265[%gather3A_287] in [0] : vector<16xi32>, vector<16xi32> -> vector<16xi32>
    %gt3A_289 = arith.cmpf ogt, %gather3A_278, %select_n3A_264 : vector<16xf32>
    %eq3A_290 = arith.cmpf oeq, %gather3A_278, %select_n3A_264 : vector<16xf32>
    %lt3A_291 = arith.cmpi slt, %gather3A_288, %select_n3A_265 : vector<16xi32>
    %and3A_292 = arith.andi %eq3A_290, %lt3A_291 : vector<16xi1>
    %or3A_293 = arith.ori %gt3A_289, %and3A_292 : vector<16xi1>
    %select_n3A_294 = arith.select %or3A_293, %gather3A_278, %select_n3A_264 : vector<16xi1>, vector<16xf32>
    %select_n3A_295 = arith.select %or3A_293, %gather3A_288, %select_n3A_265 : vector<16xi1>, vector<16xi32>
    %swap3A_296 = arith.constant 1 : i32
    %swap3A_297 = arith.index_cast %swap3A_296 : i32 to index
    %swap3A_298 = arith.constant 0 : index
    %swap3A_299 = tpu.vector_load %arg6[%swap3A_297, %swap3A_298] {strides = array<i32>} : memref<2x16xi32, #tpu.memory_space<vmem>>, vector<1x16xi32>,
    %swap3A_300 = vector.shape_cast %swap3A_299 : vector<1x16xi32> to vector<16xi32>
    %swap3A_301 = vector.shape_cast %select_n3A_295 : vector<16xi32> to vector<1x16xi32>
    tpu.vector_store %arg6[%swap3A_297, %swap3A_298], %swap3A_301 {strides = array<i32>} : memref<2x16xi32, #tpu.memory_space<vmem>>, vector<1x16xi32>,
    %dma_wait3A_302 = arith.constant 0 : i32
    %dma_wait3A_303 = tpu.memref_slice %arg4[%add3A_151, %dma_wait3A_302] : memref<64x100000xf32, #tpu.memory_space<hbm>> -> memref<1x100000xf32, #tpu.memory_space<hbm>>
    %dma_wait3A_304 = tpu.memref_squeeze %dma_wait3A_303 : memref<1x100000xf32, #tpu.memory_space<hbm>> -> memref<100000xf32, #tpu.memory_space<hbm>>
    %dma_wait3A_305 = arith.constant 0 : i32
    %dma_wait3A_306 = tpu.memref_slice %arg4[%add3A_151, %dma_wait3A_305] : memref<64x100000xf32, #tpu.memory_space<hbm>> -> memref<1x100000xf32, #tpu.memory_space<hbm>>
    %dma_wait3A_307 = tpu.memref_squeeze %dma_wait3A_306 : memref<1x100000xf32, #tpu.memory_space<hbm>> -> memref<100000xf32, #tpu.memory_space<hbm>>
    tpu.wait_dma2 semaphore(%arg7 : memref<!tpu.dma_semaphore, #tpu.memory_space<semaphore_mem>>) src(%arg5 : memref<100000xf32, #tpu.memory_space<vmem>>) dst(%dma_wait3A_307 : memref<100000xf32, #tpu.memory_space<hbm>>)
    %mul3A_308 = arith.constant 2 : i32
    %mul3A_309 = arith.muli %add3A, %mul3A_308 : i32
    "tpu.region"() ({
      %run_scoped3A = tpu.sem_alloc : memref<!tpu.dma_semaphore, #tpu.memory_space<semaphore_mem>>
      %dma_start3A_310 = arith.constant 0 : i32
      %dma_start3A_311 = tpu.memref_slice %arg3[%mul3A_309, %dma_start3A_310] : memref<64x16xi32, #tpu.memory_space<hbm>> -> memref<2x16xi32, #tpu.memory_space<hbm>>
      %dma_start3A_312 = arith.constant 0 : i32
      %dma_start3A_313 = tpu.memref_slice %arg3[%mul3A_309, %dma_start3A_312] : memref<64x16xi32, #tpu.memory_space<hbm>> -> memref<2x16xi32, #tpu.memory_space<hbm>>
      tpu.enqueue_dma source(%arg6 : memref<2x16xi32, #tpu.memory_space<vmem>>) target(%dma_start3A_313 : memref<2x16xi32, #tpu.memory_space<hbm>>) target_semaphore(%run_scoped3A : memref<!tpu.dma_semaphore, #tpu.memory_space<semaphore_mem>>)
      %dma_wait3A_314 = arith.constant 0 : i32
      %dma_wait3A_315 = tpu.memref_slice %arg3[%mul3A_309, %dma_wait3A_314] : memref<64x16xi32, #tpu.memory_space<hbm>> -> memref<2x16xi32, #tpu.memory_space<hbm>>
      %dma_wait3A_316 = arith.constant 0 : i32
      %dma_wait3A_317 = tpu.memref_slice %arg3[%mul3A_309, %dma_wait3A_316] : memref<64x16xi32, #tpu.memory_space<hbm>> -> memref<2x16xi32, #tpu.memory_space<hbm>>
      tpu.wait_dma2 semaphore(%run_scoped3A : memref<!tpu.dma_semaphore, #tpu.memory_space<semaphore_mem>>) src(%arg6 : memref<2x16xi32, #tpu.memory_space<vmem>>) dst(%dma_wait3A_317 : memref<2x16xi32, #tpu.memory_space<hbm>>)
      tpu.yield
    }) : () -> ()
    return
  }
}

</mosaic_0001>

<sc_bundles>
// kernel: kernel.3.cloned.1.call-start
scs
__scs_entry_jumppad:
0x0: {  	(pc) =	sbr.rel $0x88, $3  }
0x1: {  	(tag) =	ssettag $0x0;
	lr =	simm.s32 $0x1  }
0x2: {  	[smem:$0x3FA0] =	sst lr;
	_ =	strace $0xD0000000  }
0x3: {  	_ = 	snop  }
0x4: {  	_ = 	snop  }
0x5: {  	_ = 	snop  }
0x6: {  	_ = 	snop  }
0x7: {  	_ = 	snop  }
__scs_overlays_trampoline_lowered:
0x8: {  	[smem:$0x3FAF] =	sst s0  }
0x9: {  	[smem:$0x3FB0] =	sst s1  }
0xa: {  	[smem:$0x3FB1] =	sst s2  }
0xb: {  	[smem:$0x3FB2] =	sst s3  }
0xc: {  	[smem:$0x3FB3] =	sst s4  }
0xd: {  	[smem:$0x3FB4] =	sst s5  }
0xe: {  	[smem:$0x3FB5] =	sst s6  }
0xf: {  	[smem:$0x3FB6] =	sst s7  }
0x10: {  	[smem:$0x3FB7] =	sst s8  }
0x11: {  	[smem:$0x3FB8] =	sst s9;
	s0 =	simm.s32 @!p0 $0x0  }
0x12: {  	s1 =	sld [smem:$0x3F9E];
	s0 =	simm.s32 @p0 $0x1  }
0x13: {  	[smem:$0x3FB9] =	sst s0;
	s0 =	simm.s32 @!p1 $0x0  }
0x14: {  	s2 =	sld [smem:$0x3F9D];
	s0 =	simm.s32 @p1 $0x1  }
0x15: {  	[smem:$0x3FBA] =	sst s0;
	s0 =	simm.s32 @!p2 $0x0  }
0x16: {  	s3 =	sld [smem:$0x3FDB];
	s0 =	simm.s32 @p2 $0x1  }
0x17: {  	s4 =	simm.s32 $0x1BF5;
	[smem:$0x3FBC] =	sst s0  }
0x18: {  	s0 =	sld [smem:$0x3F9F];
	_ =	swait.ge [sflag:s4], $0x0  }
0x19: {  	s7 =	sld [smem:$0x3FA0]  }
0x1a: {  	s8 =	sadd.s32 $0xFFFFE003, lr  }
0x1b: {  	s9 =	sadd.s32 $0xFFFFFEF7, lr;
	s5 =	simm.s32 $0xFFFFFFFF;
	p2 =	slt.u32 s8, $0xFFFFF086  }
0x1c: {  	p1 =	slt.u32 s9, $0xF7A;
	s5 =	simm.s32 @!p2 $0x0  }
0x1d: {  	s5 =	simm.s32 @p1 $0x1;
	p0 =	seq.s32 s7, s2  }
0x1e: {  	s7 =	smul.u32 @!p0 $0xF7A, s2;
	p2 =	seq.s32 @!p0 s5, $0x0  }
0x1f: {  	s9 =	smul.u32 $0xF7A, s1;
	s8 =	simm.s32 @!p0 $0x1BF5;
	p2 =	por !p2, p0  }
0x20: {  	[sflag:s8] =	ssyncset.s32 @!p0 $0xFFFFF086;
	s6 =	sadd.s32 @!p0 s3, s7;
	s7 =	simm.s32 @!p0 $0x108  }
0x21: {  	s3 =	sadd.s32 s3, s9;
	s6 =	sadd.s32 @!p0 $0x88, s6;
	s7 =	simm.s32 @p2 $0x1082  }
0x22: {  	[simem:s7], [sflag:s8] =	dma.local @!p0 [hbm:s6], $0xF7A  }
0x23: {  	s9 =	sor.u32 $0xD0000000, s2;
	s6 =	simm.s32 $0x108;
	_ =	swait.ge @!p0 [sflag:s8], $0x0  }
0x24: {  	s3 =	sadd.s32 $0x88, s3;
	s6 =	simm.s32 @!p1 $0x1082;
	[sflag:s4] =	ssyncset.s32 $0xFFFFF086  }
0x25: {  	[simem:s6], [sflag:s4] =	dma.local [hbm:s3], $0xF7A  }
0x26: {  	[smem:$0x3FA0] =	sst s1;
	(tag) =	ssettag s2;
	_ =	strace s9  }
0x27: {  	s1 =	sld [smem:$0x3FB0]  }
0x28: {  	s2 =	sld [smem:$0x3FB1]  }
0x29: {  	s4 =	sld [smem:$0x3FB3]  }
0x2a: {  	p0 =	seq.s32 s5, $0x0;
	s5 =	sld [smem:$0x3FB4]  }
0x2b: {  	s6 =	sld [smem:$0x3FB5]  }
0x2c: {  	s7 =	sld [smem:$0x3FB6]  }
0x2d: {  	s3 =	simm.s32 $0x108;
	s8 =	sld [smem:$0x3FB7]  }
0x2e: {  	s3 =	simm.s32 @!p0 $0x1082;
	s9 =	sld [smem:$0x3FB8]  }
0x2f: {  	lr =	sadd.s32 s0, s3;
	s0 =	sld [smem:$0x3FAF]  }
0x30: {  	s3 =	sld [smem:$0x3FB2]  }
0x31: {  	[smem:$0x3FBB] =	sst s10  }
0x32: {  	s10 =	sld [smem:$0x3FB9];
	_ =	sdelay $0x3  }
0x33: {  	p0 =	seq.s32 s10, $0x1;
	s10 =	sld [smem:$0x3FBB];
	_ =	sdelay $0x3  }
0x34: {  	[smem:$0x3FBB] =	sst s10  }
0x35: {  	s10 =	sld [smem:$0x3FBA];
	_ =	sdelay $0x3  }
0x36: {  	p1 =	seq.s32 s10, $0x1;
	s10 =	sld [smem:$0x3FBB];
	_ =	sdelay $0x3  }
0x37: {  	[smem:$0x3FBB] =	sst s10  }
0x38: {  	s10 =	sld [smem:$0x3FBC]  }
0x39: {  	_ = 	snop;
	(pc) =	sbr.ind lr, $3  }
0x3a: {  	_ = 	snop  }
0x3b: {  	_ = 	snop  }
0x3c: {  	p2 =	seq.s32 s10, $0x1;
	s10 =	sld [smem:$0x3FBB]  }
0x3d: {  	_ =	shalt  }
0x3e: {  	_ =	shalt  }
0x3f: {  	_ =	shalt  }
0x40: {  	_ =	shalt  }
0x41: {  	_ =	shalt  }
0x42: {  	_ =	shalt  }
0x43: {  	_ =	shalt  }
0x44: {  	_ =	shalt  }
0x45: {  	_ =	shalt  }
0x46: {  	_ =	shalt  }
0x47: {  	_ =	shalt  }
0x48: {  	_ =	shalt  }
0x49: {  	_ =	shalt  }
0x4a: {  	_ =	shalt  }
0x4b: {  	_ =	shalt  }
0x4c: {  	_ =	shalt  }
0x4d: {  	_ =	shalt  }
0x4e: {  	_ =	shalt  }
0x4f: {  	_ =	shalt  }
0x50: {  	_ =	shalt  }
0x51: {  	_ =	shalt  }
0x52: {  	_ =	shalt  }
0x53: {  	_ =	shalt  }
0x54: {  	_ =	shalt  }
0x55: {  	_ =	shalt  }
0x56: {  	_ =	shalt  }
0x57: {  	_ =	shalt  }
0x58: {  	_ =	shalt  }
0x59: {  	_ =	shalt  }
0x5a: {  	_ =	shalt  }
0x5b: {  	_ =	shalt  }
0x5c: {  	_ =	shalt  }
0x5d: {  	_ =	shalt  }
0x5e: {  	_ =	shalt  }
0x5f: {  	_ =	shalt  }
0x60: {  	_ =	shalt  }
0x61: {  	_ =	shalt  }
0x62: {  	_ =	shalt  }
0x63: {  	_ =	shalt  }
0x64: {  	_ =	shalt  }
0x65: {  	_ =	shalt  }
0x66: {  	_ =	shalt  }
0x67: {  	_ =	shalt  }
0x68: {  	_ =	shalt  }
0x69: {  	_ =	shalt  }
0x6a: {  	_ =	shalt  }
0x6b: {  	_ =	shalt  }
0x6c: {  	_ =	shalt  }
0x6d: {  	_ =	shalt  }
0x6e: {  	_ =	shalt  }
0x6f: {  	_ =	shalt  }
0x70: {  	_ =	shalt  }
0x71: {  	_ =	shalt  }
0x72: {  	_ =	shalt  }
0x73: {  	_ =	shalt  }
0x74: {  	_ =	shalt  }
0x75: {  	_ =	shalt  }
0x76: {  	_ =	shalt  }
0x77: {  	_ =	shalt  }
0x78: {  	_ =	shalt  }
0x79: {  	_ =	shalt  }
0x7a: {  	_ =	shalt  }
0x7b: {  	_ =	shalt  }
0x7c: {  	_ =	shalt  }
0x7d: {  	_ =	shalt  }
0x7e: {  	_ =	shalt  }
0x7f: {  	_ =	shalt  }
0x80: {  	_ =	shalt  }
0x81: {  	_ =	shalt  }
0x82: {  	_ =	shalt  }
0x83: {  	_ =	shalt  }
0x84: {  	_ =	shalt  }
0x85: {  	_ =	shalt  }
0x86: {  	_ =	shalt  }
0x87: {  	_ =	shalt  }
.Lfunc_end0:
.L_simem_size_0:
called_computation_lowered:
.L_overlay_start_0:
0x88: {  	s2 =	sld [smem:$0x3FD9]  }
0x89: {  	s3 =	sld [smem:$0x3FFE];
	_ =	sdelay $0x1  }
0x8a: {  	s1 =	srdreg.scid  }
0x8b: {  	s0 =	sand.u32 $0x1, s1  }
0x8c: {  	s14 =	sshll.u32 s0, $0xA;
	s2 =	sadd.s32 s3, s2  }
0x8d: {  	s2 =	sadd.s32 s2, s14  }
0x8e: {  	[smem:$0x3FC7] =	sst s2  }
0x8f: {  	_ = 	snop  }
0x90: {  	s2 =	sld [smem:$0x3FD0];
	_ =	sdelay $0x2  }
0x91: {  	s15 =	simm.s32 $0xA;
	s4 =	simm.s32 $0x10  }
0x92: {  	[smem:s4], [sflag:s15] =	dma.local [hbm:s2], $0x1  }
0x93: {  	_ =	swait.eq [sflag:s15], $0x1  }
0x94: {  	[sflag:s15] =	ssyncset.done $0x0  }
0x95: {  	[sflag:s15] =	ssyncadd.s32 $0xFFFFFFFF  }
0x96: {  	s16 =	sld [smem:$0x11];
	(tm) =	ssettm $0x1  }
0x97: {  	s17 =	sld [smem:$0x3FFB];
	_ =	sdelay $0x3  }
0x98: {  	_ =	strace s17  }
0x99: {  	s3 =	sld [smem:$0x3FFC];
	_ =	sdelay $0x3  }
0x9a: {  	_ =	strace s3  }
0x9b: {  	s3 =	sld [smem:$0x3FFD];
	_ =	sdelay $0x3  }
0x9c: {  	_ =	strace s3  }
0x9d: {  	_ =	strace $0x8FFFFFFF  }
0x9e: {  	s18 =	sld [smem:$0x3FDB];
	_ =	sdelay $0x1  }
0x9f: {  	s19 =	simm.s32 $_scs_section_size  }
0xa0: {  	s5 =	simm.s32 $_size__tile_overlayer_lowered;
	s6 =	simm.s32 $_tile_overlayer_lowered  }
0xa1: {  	s22 =	simm.s32 $0x1BFF;
	s21 =	sshll.u32 s6, $0x1;
	s3 =	sadd.s32 s19, s18  }
0xa2: {  	s7 =	simm.s32 $0x0;
	s20 =	sshll.u32 s5, $0x1;
	s5 =	sadd.s32 s21, s3  }
0xa3: {  	[timem:s7], [sflag:s22] =	dma.local [hbm:s5], s20  }
0xa4: {  	_ =	swait.ge [sflag:s22], s20  }
0xa5: {  	s4 =	ssub.s32 $0x0, s20;
	[sflag:s22] =	ssyncset.done $0x0  }
0xa6: {  	[sflag:s22] =	ssyncadd.s32 s4;
	_ =	sdelay $0x1  }
0xa7: {  	s23 =	simm.s32 $0x1B8B  }
0xa8: {  	_ =	swait.ge [sflag:s23], $0x1  }
0xa9: {  	[sflag:s23] =	ssyncset.done $0x0  }
0xaa: {  	s25 =	simm.s32 $0x1B8E;
	s24 =	sld [smem:$0x3FFE];
	[sflag:s23] =	ssyncadd.s32 $0xFFFFFFFF  }
0xab: {  	s26 =	simm.s32 $execute0_lowered;
	[smem:$0x3FD2] =	sst s25  }
0xac: {  	s5 =	sshll.u32 s26, $0x1;
	_ =	strace $0x80000046;
	[dreg:$0x1] =	wrdreg $0xFFFFFFFF  }
0xad: {  	s28 =	simm.s32 $_size_execute0_lowered;
	s3 =	sadd.s32 s3, s5;
	[dreg:$0x0] =	wrdreg $0x0  }
0xae: {  	s5 =	sshll.u32 s28, $0x1;
	[dreg:$0x2] =	wrdreg s3  }
0xaf: {  	[dreg:$0x3] =	wrdreg s5  }
0xb0: {  	[dreg:$0x4] =	wrdreg $0xC0  }
0xb1: {  	_ =	task [dreg:s7], $0x5FFFF  }
0xb2: {  	[dreg:$0x1] =	wrdreg $0xFFFFFFFF  }
0xb3: {  	[dreg:$0x0] =	wrdreg $0x60  }
0xb4: {  	[dreg:$0x2] =	wrdreg s24  }
0xb5: {  	[dreg:$0x3] =	wrdreg s16  }
0xb6: {  	[dreg:$0x4] =	wrdreg $0x9  }
0xb7: {  	_ =	task.clear_ibuf [dreg:s7], $0x5FFFF;
	_ =	strace $0x90000046  }
0xb8: {  	s29 =	simm.s32 $0x9;
	_ =	strace $0x80000048  }
0xb9: {  	_ =	swait.ge [sflag:s29], $0x1  }
0xba: {  	[sflag:s29] =	ssyncadd.s32 $0xFFFFFFFF  }
0xbb: {  	_ =	strace $0x90000048  }
0xbc: {  	_ =	sfence  }
0xbd: {  	s30 =	sld [smem:$0x0];
	_ =	sdelay $0x2  }
0xbe: {  	s31 =	sshll.u32 s1, $0xD;
	s1 =	sshrl.u32 s1, $0x2  }
0xbf: {  	s3 =	sand.u32 $0x4000, s31;
	s1 =	sadd.s32 s1, s30  }
0xc0: {  	s0 =	sor.u32 s3, s0;
	s1 =	sshll.u32 s1, $0x11  }
0xc1: {  	s0 =	sor.u32 s1, s0  }
0xc2: {  	s0 =	sadd.s32 $0x8F2B, s0  }
0xc3: {  	[sflag:s0] =	ssyncadd.remote.s32 $0x1  }
0xc4: {  	_ =	sfence.sel $0xFFFF  }
0xc5: {  	[dreg:$0x0] =	wrdreg $0xFFFFFFFF;
	(pc) =	sbr.abs _section_cstart, $3  }
0xc6: {  	[dreg:$0x1] =	wrdreg $0xFFFFFFFF  }
0xc7: {  	_ =	task.clear_ibuf [dreg:s7], $0x2FFFF;
	_ =	strace $0x9FFFFFFF  }
0xc8: {  	(tm) =	ssettm $0x7FFFFFFF  }
0xc9: {  	_ =	shalt  }
tec
execute0_lowered:
.L_overlay_start_1:
0x0: {  	(tag) =	ssettag $0x1  }
0x1: {  	s3 =	rddreg [dreg:$0x0]  }
0x2: {  	s4 =	rddreg [dreg:$0x1]  }
0x3: {  	s0 =	rddreg [dreg:$0x2]  }
0x4: {  	s5 =	srdreg.scid;
	s1 =	stileid.u32;
	v0 =	vimm.s32 $0xFEDCBA98;
	v1 =	vimm.s32 $0x76543210;
	v2 =	vimm.s32 $0xBA98FEDC  }
0x5: {  	s2 =	simm.s32 $0x0;
	v3 =	vimm.s32 $0x32107654;
	v4 =	vimm.s32 $0xDCFE98BA;
	v5 =	vimm.s32 $0x54761032;
	s11 =	simm.s32 $0x2;
	s12 =	simm.s32 $0x1  }
0x6: {  	v6 =	vimm.s32 $0xEFCDAB89;
	v7 =	vimm.s32 $0x67452301;
	s13 =	simm.s32 $0x18700;
	s14 =	simm.s32 $0x0;
	s5 =	sand.u32 $0x1, s5  }
0x7: {  	s6 =	sshll.u32 s1, $0x1;
	v0 =	vunpack.c.l.s4.s8 v0;
	[smem:$0x7FF] =	sst s2;
	v1 =	vunpack.c.l.s4.s8 v1;
	s8 =	sshrl.u32 s1, $0x1;
	v2 =	vunpack.c.l.s4.s8 v2  }
0x8: {  	v3 =	vunpack.c.l.s4.s8 v3;
	v4 =	vunpack.c.l.s4.s8 v4;
	v5 =	vunpack.c.l.s4.s8 v5;
	s6 =	sor.u32 s5, s6;
	_ =	strace $0x80000047;
	s9 =	sshll.u32 s8, $0xA  }
0x9: {  	v6 =	vunpack.c.l.s4.s8 v6;
	v7 =	vunpack.c.l.s4.s8 v7;
	s5 =	ssub.s32 $0x2, s5;
	s7 =	smul.u32 $0x18700, s6;
	v0 =	vunpack.c.0.s8.s32 v0;
	s6 =	sshll.u32 s6, $0x8  }
0xa: {  	s8 =	smul.u32 $0xC3800, s8;
	s10 =	sshrl.u32 s5, $0x1;
	v2 =	vunpack.c.0.s8.s32 v2;
	v3 =	vunpack.c.0.s8.s32 v3;
	v4 =	vunpack.c.0.s8.s32 v4;
	s6 =	sand.u32 $0x300, s6  }
0xb: {  	v5 =	vunpack.c.0.s8.s32 v5;
	v6 =	vunpack.c.0.s8.s32 v6;
	v7 =	vunpack.c.0.s8.s32 v7;
	s30 =	ssub.s32 s5, s10;
	s10 =	simm.s32 $0x400;
	s7 =	sadd.s32 s7, s3  }
0xc: {  	v1 =	vunpack.c.0.s8.s32 v1;
	s9 =	sor.u32 s9, s6;
	s6 =	sor.u32 s8, s6;
	v2 =	vcombine.low v3, v2;
	s8 =	smax.u32 s30, $0x1  }
0xd: {  	v3 =	vcombine.low v5, v4;
	v4 =	vand.u32 $0xF, v0;
	v5 =	vcombine.low v7, v6;
	s9 =	sshrl.u32 s9, $0x3;
	s31 =	sshrl.u32 s6, $0x3;
	s5 =	sadd.s32 $0x870, s7  }
0xe: {  	v0 =	vlaneseq.u32;
	v1 =	vcombine.low v4, v1;
	s29 =	sadd.s32 s9, s3;
	s3 =	sadd.s32 $0x830, s7;
	s4 =	sadd.s32 s4, s31  }
0xf: {  	s9 =	simm.s32 $0x80;
	v2 =	vand.u32 $0xF, v2;
	v3 =	vand.u32 $0xF, v3;
	v4 =	vand.u32 $0xF, v5;
	s6 =	sadd.s32 $0x10, s4;
	s7 =	sadd.s32 $0x30E800, s29  }
.LBB2_1:
0x10: {  	[tilespmem:s2], [sflag:$0x2] =	stream.strided.gather [hbm4b:s3+s9], $0x18700, s10, s9, $0x38;
	[tilespmem:$0x18800] =	vst v63  }
0x11: {  	s16 =	simm.s32 $0x180  }
0x12: {  	s15 =	simm.s32 $0xC4D0;
	s17 =	simm.s32 $0x170;
	s18 =	simm.s32 $0x160  }
0x13: {  	s19 =	simm.s32 $0x140;
	s20 =	simm.s32 $0x150;
	_ =	swait.ge [sflag:s11], $0x18700  }
0x14: {  	s21 =	simm.s32 $0x130;
	s23 =	simm.s32 $0x110;
	v7 =	vor.u32 s18, v0;
	[sflag:s11] =	ssyncset.done $0x0  }
0x15: {  	s22 =	simm.s32 $0x120;
	s26 =	simm.s32 $0xD0;
	v6 =	vor.u32 s17, v0;
	v5 =	vor.u32 s16, v0;
	v10 =	vor.u32 s21, v0;
	[sflag:s11] =	ssyncadd.s32 $0xFFFE7900  }
0x16: {  	v18 =	vimm.f32 $-Inf;
	v9 =	vor.u32 s19, v0;
	v8 =	vor.u32 s20, v0;
	[hbm4b:s4+s9] =	stream.strided.scatter [tilespmem:s2], [sflag:$0x1], $0x18700, s10, s9, $0x38;
	[tilespmem:$0x18800] =	vst v63  }
0x17: {  	s24 =	simm.s32 $0xE0;
	s25 =	simm.s32 $0xF0;
	s28 =	simm.s32 $0xB0;
	v12 =	vor.u32 s23, v0;
	v11 =	vor.u32 s22, v0;
	v16 =	vor.u32 s26, v0;
	v19 =	vld [tilespmem:s15+$0xFFFF3B30]  }
0x18: {  	s29 =	simm.s32 $0xC0;
	s30 =	simm.s32 $0x90;
	s31 =	simm.s32 $0x70;
	v15 =	vor.u32 s24, v0;
	v14 =	vor.u32 s25, v0;
	v23 =	vor.u32 s28, v0;
	v20 =	vld [tilespmem:s15+$0xFFFFFE80]  }
0x19: {  	s17 =	simm.s32 $0x100;
	s23 =	simm.s32 $0xA0;
	s20 =	simm.s32 $0x80;
	v17 =	vor.u32 s29, v0;
	v25 =	vor.u32 s31, v0;
	v27 =	vor.u32 s30, v0;
	v21 =	vld [tilespmem:s15+$0xFFFF3B40]  }
0x1a: {  	s25 =	simm.s32 $0x50;
	s26 =	simm.s32 $0x60;
	s28 =	simm.s32 $0x10;
	v13 =	vor.u32 s17, v0;
	v22 =	vor.u32 s23, v0;
	v26 =	vor.u32 s20, v0;
	v24 =	vld [tilespmem:s15+$0xFFFFFE90]  }
0x1b: {  	s29 =	simm.s32 $0x20;
	s24 =	simm.s32 $0x30;
	s30 =	simm.s32 $0x0;
	v30 =	vor.u32 s25, v0;
	v31 =	vor.u32 s26, v0;
	v32 =	vor.u32 s28, v0;
	v28 =	vld [tilespmem:s15+$0xFFFF3B50]  }
0x1c: {  	s23 =	simm.s32 $0x40;
	v33 =	vor.u32 s29, v0;
	v35 =	vor.u32 s24, v0;
	v36 =	vor.u32 s30, v0;
	v34 =	vld [tilespmem:s15+$0xFFFFFEA0]  }
0x1d: {  	s31 =	sand.u32 $0xFFF0, s30;
	v29 =	vor.u32 s23, v0;
	v37 =	vld [tilespmem:s15+$0xFFFF3B60];
	vm0 =	vgt.f32 v19, v18;
	vm1 =	vgt.f32 v20, v18  }
0x1e: {  	v38 =	vld [tilespmem:s31+$0xC380];
	v19 =	vsel vm0, v19, v18;
	v18 =	vsel vm1, v20, v18;
	v45 =	vsel vm1, v36, v0  }
0x1f: {  	v39 =	vld [tilespmem:s15+$0xFFFF3B70];
	v36 =	vsel vm0, v36, v0;
	vm0 =	vgt.f32 v21, v19;
	vm1 =	vgt.f32 v24, v18  }
0x20: {  	v46 =	vld [tilespmem:s15+$0xFFFFFEC0];
	v19 =	vsel vm0, v21, v19;
	v18 =	vsel vm1, v24, v18;
	v20 =	vsel vm1, v32, v45  }
0x21: {  	v48 =	vld [tilespmem:s15+$0xFFFF3B80];
	v47 =	vsel vm0, v32, v36;
	vm0 =	vgt.f32 v28, v19;
	vm1 =	vgt.f32 v34, v18  }
0x22: {  	v49 =	vld [tilespmem:s15+$0xFFFFFED0];
	v19 =	vsel vm0, v28, v19;
	v18 =	vsel vm1, v34, v18;
	v20 =	vsel vm1, v33, v20  }
0x23: {  	v50 =	vld [tilespmem:s15+$0xFFFF3B90];
	v24 =	vsel vm0, v33, v47;
	vm0 =	vgt.f32 v37, v19;
	vm1 =	vgt.f32 v38, v18  }
0x24: {  	v51 =	vld [tilespmem:s15+$0xFFFFFEE0];
	v19 =	vsel vm0, v37, v19;
	v18 =	vsel vm1, v38, v18;
	v20 =	vsel vm1, v35, v20  }
0x25: {  	v52 =	vld [tilespmem:s15+$0xFFFF3BA0];
	v24 =	vsel vm0, v35, v24;
	vm0 =	vgt.f32 v39, v19;
	vm1 =	vgt.f32 v46, v18  }
0x26: {  	s18 =	sand.u32 $0x70, s30;
	s20 =	sand.u32 $0x1FF80, s20;
	v53 =	vld [tilespmem:s15+$0xFFFFFEF0];
	v19 =	vsel vm0, v39, v19;
	v18 =	vsel vm1, v46, v18;
	v20 =	vsel vm1, v29, v20  }
0x27: {  	s20 =	sor.u32 s18, s20;
	v54 =	vld [tilespmem:s15+$0xFFFFFF00];
	v24 =	vsel vm0, v29, v24;
	vm0 =	vgt.f32 v48, v19;
	vm1 =	vgt.f32 v49, v18  }
0x28: {  	v55 =	vld [tilespmem:s20+$0x0];
	v19 =	vsel vm0, v48, v19;
	v18 =	vsel vm1, v49, v18;
	v20 =	vsel vm1, v30, v20  }
0x29: {  	v56 =	vld [tilespmem:s15+$0xFFFF3BC0];
	v24 =	vsel vm0, v30, v24;
	vm0 =	vgt.f32 v50, v19;
	vm1 =	vgt.f32 v51, v18  }
0x2a: {  	v57 =	vld [tilespmem:s15+$0xFFFFFF10];
	v19 =	vsel vm0, v50, v19;
	v18 =	vsel vm1, v51, v18;
	v20 =	vsel vm1, v31, v20  }
0x2b: {  	v58 =	vld [tilespmem:s15+$0xFFFF3BD0];
	v24 =	vsel vm0, v31, v24;
	vm0 =	vgt.f32 v52, v19;
	vm1 =	vgt.f32 v53, v18  }
0x2c: {  	v59 =	vld [tilespmem:s15+$0xFFFFFF20];
	v19 =	vsel vm0, v52, v19;
	v18 =	vsel vm1, v53, v18;
	v20 =	vsel vm1, v25, v20  }
0x2d: {  	v60 =	vld [tilespmem:s15+$0xFFFF3BE0];
	v24 =	vsel vm0, v25, v24;
	vm0 =	vgt.f32 v55, v19;
	vm1 =	vgt.f32 v54, v18  }
0x2e: {  	v61 =	vld [tilespmem:s31+$0xC400];
	v19 =	vsel vm0, v55, v19;
	v18 =	vsel vm1, v54, v18;
	v20 =	vsel vm1, v26, v20  }
0x2f: {  	v62 =	vld [tilespmem:s15+$0xFFFF3BF0];
	v24 =	vsel vm0, v26, v24;
	vm0 =	vgt.f32 v56, v19;
	vm1 =	vgt.f32 v57, v18  }
0x30: {  	v63 =	vld [tilespmem:s15+$0xFFFFFF40];
	v19 =	vsel vm0, v56, v19;
	v18 =	vsel vm1, v57, v18;
	v20 =	vsel vm1, v27, v20  }
0x31: {  	v30 =	vld [tilespmem:s15+$0xFFFF3C00];
	v24 =	vsel vm0, v27, v24;
	vm0 =	vgt.f32 v58, v19;
	vm1 =	vgt.f32 v59, v18  }
0x32: {  	v31 =	vld [tilespmem:s15+$0xFFFFFF50];
	v19 =	vsel vm0, v58, v19;
	v18 =	vsel vm1, v59, v18;
	v20 =	vsel vm1, v22, v20  }
0x33: {  	v32 =	vld [tilespmem:s15+$0xFFFF3C10];
	v22 =	vsel vm0, v22, v24;
	vm0 =	vgt.f32 v60, v19;
	vm1 =	vgt.f32 v61, v18  }
0x34: {  	v33 =	vld [tilespmem:s15+$0xFFFFFF60];
	v19 =	vsel vm0, v60, v19;
	v18 =	vsel vm1, v61, v18;
	v20 =	vsel vm1, v23, v20  }
0x35: {  	v34 =	vld [tilespmem:s15+$0xFFFF3C20];
	v22 =	vsel vm0, v23, v22;
	vm0 =	vgt.f32 v62, v19;
	vm1 =	vgt.f32 v63, v18  }
0x36: {  	s17 =	sand.u32 $0x1FF80, s17;
	v35 =	vld [tilespmem:s15+$0xFFFFFF70];
	v19 =	vsel vm0, v62, v19;
	v18 =	vsel vm1, v63, v18;
	v20 =	vsel vm1, v17, v20  }
0x37: {  	s17 =	sor.u32 s18, s17;
	v36 =	vld [tilespmem:s15+$0xFFFFFF80];
	v17 =	vsel vm0, v17, v22;
	vm0 =	vgt.f32 v30, v19;
	vm1 =	vgt.f32 v31, v18  }
0x38: {  	v37 =	vld [tilespmem:s17+$0x0];
	v19 =	vsel vm0, v30, v19;
	v18 =	vsel vm1, v31, v18;
	v20 =	vsel vm1, v16, v20  }
0x39: {  	v38 =	vld [tilespmem:s15+$0xFFFF3C40];
	v16 =	vsel vm0, v16, v17;
	vm0 =	vgt.f32 v32, v19;
	vm1 =	vgt.f32 v33, v18  }
0x3a: {  	v39 =	vld [tilespmem:s15+$0xFFFFFF90];
	v19 =	vsel vm0, v32, v19;
	v18 =	vsel vm1, v33, v18;
	v20 =	vsel vm1, v15, v20  }
0x3b: {  	v40 =	vld [tilespmem:s15+$0xFFFF3C50];
	v15 =	vsel vm0, v15, v16;
	vm0 =	vgt.f32 v34, v19;
	vm1 =	vgt.f32 v35, v18  }
0x3c: {  	v41 =	vld [tilespmem:s15+$0xFFFFFFA0];
	v19 =	vsel vm0, v34, v19;
	v18 =	vsel vm1, v35, v18;
	v20 =	vsel vm1, v14, v20  }
0x3d: {  	v42 =	vld [tilespmem:s15+$0xFFFF3C60];
	v14 =	vsel vm0, v14, v15;
	vm0 =	vgt.f32 v37, v19;
	vm1 =	vgt.f32 v36, v18  }
0x3e: {  	v43 =	vld [tilespmem:s31+$0xC480];
	v19 =	vsel vm0, v37, v19;
	v18 =	vsel vm1, v36, v18;
	v20 =	vsel vm1, v13, v20  }
0x3f: {  	v44 =	vld [tilespmem:s15+$0xFFFF3C70];
	v13 =	vsel vm0, v13, v14;
	vm0 =	vgt.f32 v38, v19;
	vm1 =	vgt.f32 v39, v18  }
0x40: {  	v46 =	vld [tilespmem:s15+$0xFFFFFFC0];
	v17 =	vsel vm0, v38, v19;
	v18 =	vsel vm1, v39, v18;
	v45 =	vsel vm1, v12, v20  }
0x41: {  	v47 =	vld [tilespmem:s15+$0xFFFF3C80];
	v12 =	vsel vm0, v12, v13;
	vm0 =	vgt.f32 v40, v17;
	vm1 =	vgt.f32 v41, v18  }
0x42: {  	v50 =	vld [tilespmem:s15+$0xFFFFFFD0];
	v16 =	vsel vm0, v40, v17;
	v48 =	vsel vm1, v41, v18;
	v49 =	vsel vm1, v11, v45  }
0x43: {  	v51 =	vld [tilespmem:s15+$0xFFFF3C90];
	v11 =	vsel vm0, v11, v12;
	vm0 =	vgt.f32 v42, v16;
	vm1 =	vgt.f32 v43, v48  }
0x44: {  	v54 =	vld [tilespmem:s15+$0xFFFFFFE0];
	v15 =	vsel vm0, v42, v16;
	v52 =	vsel vm1, v43, v48;
	v53 =	vsel vm1, v10, v49  }
0x45: {  	v57 =	vld [tilespmem:s15+$0xFFFFFFF0];
	v10 =	vsel vm0, v10, v11;
	vm0 =	vgt.f32 v44, v15;
	vm1 =	vgt.f32 v46, v52  }
0x46: {  	s16 =	sand.u32 $0x1FF80, s16;
	v11 =	vld [tilespmem:s15+$0xFFFF3CA0];
	v14 =	vsel vm0, v44, v15;
	v55 =	vsel vm1, v46, v52;
	v56 =	vsel vm1, v9, v53  }
0x47: {  	s16 =	sor.u32 s18, s16;
	v58 =	vsel vm0, v9, v10;
	v9 =	vld [tilespmem:s15+$0x0];
	vm0 =	vgt.f32 v47, v14;
	vm1 =	vgt.f32 v50, v55  }
0x48: {  	v10 =	vld [tilespmem:s16+$0x0];
	v13 =	vsel vm0, v47, v14;
	v59 =	vsel vm1, v50, v55;
	v60 =	vsel vm1, v8, v56  }
0x49: {  	v8 =	vsel vm0, v8, v58;
	vm0 =	vgt.f32 v51, v13;
	vm1 =	vgt.f32 v54, v59  }
0x4a: {  	v12 =	vsel vm0, v51, v13;
	v61 =	vsel vm1, v54, v59;
	v62 =	vsel vm1, v7, v60  }
0x4b: {  	v63 =	vsel vm0, v7, v8;
	vm0 =	vgt.f32 v11, v12;
	vm1 =	vgt.f32 v57, v61  }
0x4c: {  	v7 =	vsel vm0, v11, v12;
	v8 =	vsel vm1, v57, v61;
	v11 =	vsel vm1, v6, v62  }
0x4d: {  	s17 =	simm.s32 $0x310;
	s16 =	simm.s32 $0x0;
	v6 =	vsel vm0, v6, v63;
	vm0 =	vgt.f32 v10, v7;
	vm1 =	vgt.f32 v9, v8  }
.LBB2_2:
0x4e: {  	s18 =	sadd.s32 $0xFFFFFFF0, s17;
	v20 =	vsel vm0, v10, v7;
	v21 =	vsel vm1, v9, v8;
	v22 =	vsel vm1, v5, v11;
	s15 =	sadd.s32 $0x190, s15  }
0x4f: {  	s19 =	sadd.s32 $0xFFFFFFC0, s17;
	s20 =	sadd.s32 $0xFFFFFFD0, s17;
	s21 =	sadd.s32 $0xFFFFFFE0, s17;
	v23 =	vsel vm0, v5, v6  }
0x50: {  	s22 =	sadd.s32 $0xFFFFFF90, s17;
	s23 =	sadd.s32 $0xFFFFFFA0, s17;
	s24 =	sadd.s32 $0xFFFFFFB0, s17;
	v5 =	vor.u32 s17, v0;
	v7 =	vor.u32 s21, v0;
	v6 =	vor.u32 s18, v0  }
0x51: {  	s25 =	sadd.s32 $0xFFFFFF70, s17;
	s21 =	sadd.s32 $0xFFFFFF60, s17;
	s18 =	sadd.s32 $0xFFFFFF80, s17;
	v10 =	vor.u32 s24, v0;
	v9 =	vor.u32 s19, v0;
	v8 =	vor.u32 s20, v0  }
0x52: {  	s19 =	sadd.s32 $0xFFFFFF30, s17;
	s20 =	sadd.s32 $0xFFFFFF40, s17;
	s24 =	sadd.s32 $0xFFFFFF50, s17;
	v12 =	vor.u32 s22, v0;
	v11 =	vor.u32 s23, v0;
	v13 =	vor.u32 s18, v0;
	v24 =	vld [tilespmem:s15+$0xFFFF3B30]  }
0x53: {  	s16 =	sadd.s32 $0x19, s16;
	s22 =	sadd.s32 $0xFFFFFF10, s17;
	s23 =	sadd.s32 $0xFFFFFF20, s17;
	v14 =	vor.u32 s25, v0;
	v16 =	vor.u32 s24, v0;
	v15 =	vor.u32 s21, v0;
	v25 =	vld [tilespmem:s15+$0xFFFFFE80]  }
0x54: {  	p0 =	slt.u32 s16, $0xC1C;
	s24 =	sadd.s32 $0xFFFFFEF0, s17;
	s21 =	sadd.s32 $0xFFFFFF00, s17;
	v19 =	vor.u32 s23, v0;
	v18 =	vor.u32 s19, v0;
	v17 =	vor.u32 s20, v0;
	v26 =	vld [tilespmem:s15+$0xFFFF3B40]  }
0x55: {  	s19 =	sadd.s32 $0xFFFFFEC0, s17;
	s20 =	sadd.s32 $0xFFFFFED0, s17;
	s23 =	sadd.s32 $0xFFFFFEE0, s17;
	v30 =	vor.u32 s22, v0;
	v28 =	vor.u32 s24, v0;
	v29 =	vor.u32 s21, v0;
	v27 =	vld [tilespmem:s15+$0xFFFFFE90]  }
0x56: {  	s25 =	sadd.s32 $0xFFFFFEB0, s17;
	s22 =	sadd.s32 $0xFFFFFE90, s17;
	s24 =	sadd.s32 $0xFFFFFEA0, s17;
	v32 =	vor.u32 s19, v0;
	v33 =	vor.u32 s20, v0;
	v34 =	vor.u32 s23, v0;
	v31 =	vld [tilespmem:s15+$0xFFFF3B50]  }
0x57: {  	v38 =	vor.u32 s25, v0;
	s19 =	sadd.s32 $0xFFFFFE80, s17;
	v35 =	vor.u32 s22, v0;
	v36 =	vor.u32 s24, v0;
	v37 =	vld [tilespmem:s15+$0xFFFFFEA0]  }
0x58: {  	v39 =	vor.u32 s19, v0;
	s20 =	sand.u32 $0xFFF0, s19;
	vm0 =	vgt.f32 v24, v20;
	vm1 =	vgt.f32 v25, v21;
	v40 =	vld [tilespmem:s15+$0xFFFF3B60]  }
0x59: {  	v20 =	vsel vm0, v24, v20;
	v21 =	vsel vm1, v25, v21;
	v22 =	vsel vm1, v39, v22;
	v24 =	vld [tilespmem:s20+$0xC380]  }
0x5a: {  	v23 =	vsel vm0, v39, v23;
	vm0 =	vgt.f32 v26, v20;
	vm1 =	vgt.f32 v27, v21;
	v25 =	vld [tilespmem:s15+$0xFFFF3B70]  }
0x5b: {  	v20 =	vsel vm0, v26, v20;
	v21 =	vsel vm1, v27, v21;
	v22 =	vsel vm1, v35, v22;
	v26 =	vld [tilespmem:s15+$0xFFFFFEC0]  }
0x5c: {  	v23 =	vsel vm0, v35, v23;
	vm0 =	vgt.f32 v31, v20;
	vm1 =	vgt.f32 v37, v21;
	v27 =	vld [tilespmem:s15+$0xFFFF3B80]  }
0x5d: {  	v20 =	vsel vm0, v31, v20;
	v21 =	vsel vm1, v37, v21;
	v22 =	vsel vm1, v36, v22;
	v31 =	vld [tilespmem:s15+$0xFFFFFED0]  }
0x5e: {  	v23 =	vsel vm0, v36, v23;
	vm0 =	vgt.f32 v40, v20;
	vm1 =	vgt.f32 v24, v21;
	v35 =	vld [tilespmem:s15+$0xFFFF3B90]  }
0x5f: {  	v20 =	vsel vm0, v40, v20;
	v21 =	vsel vm1, v24, v21;
	v22 =	vsel vm1, v38, v22;
	v24 =	vld [tilespmem:s15+$0xFFFFFEE0]  }
0x60: {  	v23 =	vsel vm0, v38, v23;
	vm0 =	vgt.f32 v25, v20;
	vm1 =	vgt.f32 v26, v21;
	v36 =	vld [tilespmem:s15+$0xFFFF3BA0]  }
0x61: {  	s21 =	sand.u32 $0x1FF80, s21;
	s19 =	sand.u32 $0x70, s19;
	v20 =	vsel vm0, v25, v20;
	v21 =	vsel vm1, v26, v21;
	v22 =	vsel vm1, v32, v22;
	v25 =	vld [tilespmem:s15+$0xFFFFFEF0]  }
0x62: {  	s21 =	sor.u32 s19, s21;
	v23 =	vsel vm0, v32, v23;
	vm0 =	vgt.f32 v27, v20;
	vm1 =	vgt.f32 v31, v21;
	v26 =	vld [tilespmem:s15+$0xFFFFFF00]  }
0x63: {  	v20 =	vsel vm0, v27, v20;
	v21 =	vsel vm1, v31, v21;
	v22 =	vsel vm1, v33, v22;
	v27 =	vld [tilespmem:s21+$0x0]  }
0x64: {  	v23 =	vsel vm0, v33, v23;
	vm0 =	vgt.f32 v35, v20;
	vm1 =	vgt.f32 v24, v21;
	v31 =	vld [tilespmem:s15+$0xFFFF3BC0]  }
0x65: {  	v20 =	vsel vm0, v35, v20;
	v21 =	vsel vm1, v24, v21;
	v22 =	vsel vm1, v34, v22;
	v24 =	vld [tilespmem:s15+$0xFFFFFF10]  }
0x66: {  	v23 =	vsel vm0, v34, v23;
	vm0 =	vgt.f32 v36, v20;
	vm1 =	vgt.f32 v25, v21;
	v32 =	vld [tilespmem:s15+$0xFFFF3BD0]  }
0x67: {  	v20 =	vsel vm0, v36, v20;
	v21 =	vsel vm1, v25, v21;
	v22 =	vsel vm1, v28, v22;
	v25 =	vld [tilespmem:s15+$0xFFFFFF20]  }
0x68: {  	v23 =	vsel vm0, v28, v23;
	vm0 =	vgt.f32 v27, v20;
	vm1 =	vgt.f32 v26, v21;
	v28 =	vld [tilespmem:s15+$0xFFFF3BE0]  }
0x69: {  	v20 =	vsel vm0, v27, v20;
	v21 =	vsel vm1, v26, v21;
	v22 =	vsel vm1, v29, v22;
	v26 =	vld [tilespmem:s20+$0xC400]  }
0x6a: {  	v23 =	vsel vm0, v29, v23;
	vm0 =	vgt.f32 v31, v20;
	vm1 =	vgt.f32 v24, v21;
	v27 =	vld [tilespmem:s15+$0xFFFF3BF0]  }
0x6b: {  	v20 =	vsel vm0, v31, v20;
	v21 =	vsel vm1, v24, v21;
	v22 =	vsel vm1, v30, v22;
	v24 =	vld [tilespmem:s15+$0xFFFFFF40]  }
0x6c: {  	v23 =	vsel vm0, v30, v23;
	vm0 =	vgt.f32 v32, v20;
	vm1 =	vgt.f32 v25, v21;
	v29 =	vld [tilespmem:s15+$0xFFFF3C00]  }
0x6d: {  	v20 =	vsel vm0, v32, v20;
	v21 =	vsel vm1, v25, v21;
	v22 =	vsel vm1, v19, v22;
	v25 =	vld [tilespmem:s15+$0xFFFFFF50]  }
0x6e: {  	v19 =	vsel vm0, v19, v23;
	vm0 =	vgt.f32 v28, v20;
	vm1 =	vgt.f32 v26, v21;
	v23 =	vld [tilespmem:s15+$0xFFFF3C10]  }
0x6f: {  	v20 =	vsel vm0, v28, v20;
	v21 =	vsel vm1, v26, v21;
	v22 =	vsel vm1, v18, v22;
	v26 =	vld [tilespmem:s15+$0xFFFFFF60]  }
0x70: {  	v18 =	vsel vm0, v18, v19;
	vm0 =	vgt.f32 v27, v20;
	vm1 =	vgt.f32 v24, v21;
	v19 =	vld [tilespmem:s15+$0xFFFF3C20]  }
0x71: {  	s18 =	sand.u32 $0x1FF80, s18;
	v20 =	vsel vm0, v27, v20;
	v21 =	vsel vm1, v24, v21;
	v22 =	vsel vm1, v17, v22;
	v24 =	vld [tilespmem:s15+$0xFFFFFF70]  }
0x72: {  	s18 =	sor.u32 s19, s18;
	v17 =	vsel vm0, v17, v18;
	vm0 =	vgt.f32 v29, v20;
	vm1 =	vgt.f32 v25, v21;
	v18 =	vld [tilespmem:s15+$0xFFFFFF80]  }
0x73: {  	v20 =	vsel vm0, v29, v20;
	v21 =	vsel vm1, v25, v21;
	v22 =	vsel vm1, v16, v22;
	v25 =	vld [tilespmem:s18+$0x0]  }
0x74: {  	v16 =	vsel vm0, v16, v17;
	vm0 =	vgt.f32 v23, v20;
	vm1 =	vgt.f32 v26, v21;
	v17 =	vld [tilespmem:s15+$0xFFFF3C40]  }
0x75: {  	v20 =	vsel vm0, v23, v20;
	v21 =	vsel vm1, v26, v21;
	v22 =	vsel vm1, v15, v22;
	v23 =	vld [tilespmem:s15+$0xFFFFFF90]  }
0x76: {  	v15 =	vsel vm0, v15, v16;
	vm0 =	vgt.f32 v19, v20;
	vm1 =	vgt.f32 v24, v21;
	v16 =	vld [tilespmem:s15+$0xFFFF3C50]  }
0x77: {  	v19 =	vsel vm0, v19, v20;
	v20 =	vsel vm1, v24, v21;
	v21 =	vsel vm1, v14, v22;
	v22 =	vld [tilespmem:s15+$0xFFFFFFA0]  }
0x78: {  	v14 =	vsel vm0, v14, v15;
	vm0 =	vgt.f32 v25, v19;
	vm1 =	vgt.f32 v18, v20;
	v15 =	vld [tilespmem:s15+$0xFFFF3C60]  }
0x79: {  	v19 =	vsel vm0, v25, v19;
	v18 =	vsel vm1, v18, v20;
	v20 =	vsel vm1, v13, v21;
	v21 =	vld [tilespmem:s20+$0xC480]  }
0x7a: {  	v13 =	vsel vm0, v13, v14;
	vm0 =	vgt.f32 v17, v19;
	vm1 =	vgt.f32 v23, v18;
	v14 =	vld [tilespmem:s15+$0xFFFF3C70]  }
0x7b: {  	v17 =	vsel vm0, v17, v19;
	v18 =	vsel vm1, v23, v18;
	v19 =	vsel vm1, v12, v20;
	v20 =	vld [tilespmem:s15+$0xFFFFFFC0]  }
0x7c: {  	v12 =	vsel vm0, v12, v13;
	vm0 =	vgt.f32 v16, v17;
	vm1 =	vgt.f32 v22, v18;
	v13 =	vld [tilespmem:s15+$0xFFFF3C80]  }
0x7d: {  	v16 =	vsel vm0, v16, v17;
	v17 =	vsel vm1, v22, v18;
	v18 =	vsel vm1, v11, v19;
	v19 =	vld [tilespmem:s15+$0xFFFFFFD0]  }
0x7e: {  	v11 =	vsel vm0, v11, v12;
	vm0 =	vgt.f32 v15, v16;
	vm1 =	vgt.f32 v21, v17;
	v12 =	vld [tilespmem:s15+$0xFFFF3C90]  }
0x7f: {  	v15 =	vsel vm0, v15, v16;
	v16 =	vsel vm1, v21, v17;
	v17 =	vsel vm1, v10, v18;
	v18 =	vld [tilespmem:s15+$0xFFFFFFE0]  }
0x80: {  	v10 =	vsel vm0, v10, v11;
	vm0 =	vgt.f32 v14, v15;
	vm1 =	vgt.f32 v20, v16;
	v11 =	vld [tilespmem:s15+$0xFFFF3CA0]  }
0x81: {  	s18 =	sand.u32 $0x1FF80, s17;
	v14 =	vsel vm0, v14, v15;
	v15 =	vsel vm1, v20, v16;
	v16 =	vsel vm1, v9, v17;
	v17 =	vld [tilespmem:s15+$0xFFFFFFF0]  }
0x82: {  	s18 =	sor.u32 s19, s18;
	v20 =	vsel vm0, v9, v10;
	vm0 =	vgt.f32 v13, v14;
	vm1 =	vgt.f32 v19, v15;
	v9 =	vld [tilespmem:s15+$0x0]  }
0x83: {  	v13 =	vsel vm0, v13, v14;
	v14 =	vsel vm1, v19, v15;
	v15 =	vsel vm1, v8, v16;
	v10 =	vld [tilespmem:s18+$0x0]  }
.Ltmp0:
0x84: {  	v8 =	vsel vm0, v8, v20;
	vm0 =	vgt.f32 v12, v13;
	vm1 =	vgt.f32 v18, v14;
	(pc) =	sbr.rel @p0 .LBB2_2-.Ltmp0, $4  }
0x85: {  	v12 =	vsel vm0, v12, v13;
	v13 =	vsel vm1, v18, v14;
	v14 =	vsel vm1, v7, v15  }
0x86: {  	v15 =	vsel vm0, v7, v8;
	vm0 =	vgt.f32 v11, v12;
	vm1 =	vgt.f32 v17, v13  }
0x87: {  	v7 =	vsel vm0, v11, v12;
	v8 =	vsel vm1, v17, v13;
	v11 =	vsel vm1, v6, v14  }
0x88: {  	s17 =	sadd.s32 $0x190, s17;
	v6 =	vsel vm0, v6, v15;
	vm0 =	vgt.f32 v10, v7;
	vm1 =	vgt.f32 v9, v8  }
0x89: {  	v7 =	vsel vm0, v10, v7;
	v8 =	vsel vm1, v9, v8;
	v9 =	vsel vm1, v5, v11  }
0x8a: {  	v5 =	vsel vm0, v5, v6;
	vm0 =	vgt.f32 v8, v7;
	v6 =	vadd.s32 $0xC350, v9  }
0x8b: {  	v7 =	vsel vm0, v8, v7;
	v5 =	vsel vm0, v6, v5  }
0x8c: {  	v6 =	vperm.xlane v7, v1;
	v8 =	vperm.xlane v5, v1;
	_ =	sdelay $0x1  }
0x8d: {  	vm0 =	veq.f32 v6, v7;
	vm1 =	vlt.s32 v8, v5  }
0x8e: {  	vm2 =	vgt.f32 v6, v7;
	vm0 =	vmand vm0, vm1  }
0x8f: {  	vm0 =	vmor vm2, vm0  }
0x90: {  	v6 =	vsel vm0, v6, v7;
	v5 =	vsel vm0, v8, v5  }
0x91: {  	v7 =	vperm.xlane v6, v2;
	v8 =	vperm.xlane v5, v2;
	_ =	sdelay $0x1  }
0x92: {  	vm0 =	veq.f32 v7, v6;
	vm1 =	vlt.s32 v8, v5  }
0x93: {  	vm2 =	vgt.f32 v7, v6;
	vm0 =	vmand vm0, vm1  }
0x94: {  	vm0 =	vmor vm2, vm0  }
0x95: {  	v6 =	vsel vm0, v7, v6;
	v5 =	vsel vm0, v8, v5  }
0x96: {  	v7 =	vperm.xlane v6, v3;
	v8 =	vperm.xlane v5, v3;
	_ =	sdelay $0x1  }
0x97: {  	vm0 =	veq.f32 v7, v6;
	vm1 =	vlt.s32 v8, v5  }
0x98: {  	vm2 =	vgt.f32 v7, v6;
	vm0 =	vmand vm0, vm1  }
0x99: {  	vm0 =	vmor vm2, vm0  }
0x9a: {  	v6 =	vsel vm0, v7, v6;
	v5 =	vsel vm0, v8, v5  }
0x9b: {  	v7 =	vperm.xlane v6, v4;
	v8 =	vperm.xlane v5, v4;
	_ =	sdelay $0x1  }
0x9c: {  	vm0 =	veq.f32 v7, v6;
	vm1 =	vlt.s32 v8, v5  }
0x9d: {  	vm2 =	vgt.f32 v7, v6;
	vm0 =	vmand vm0, vm1  }
0x9e: {  	vm0 =	vmor vm2, vm0  }
0x9f: {  	v5 =	vsel vm0, v8, v5  }
0xa0: {  	[tilespmem:$0x18700] =	vst v5  }
0xa1: {  	_ =	swait.ge [sflag:s12], $0x18700  }
0xa2: {  	s15 =	simm.s32 $0xC4D0;
	s19 =	simm.s32 $0x140;
	[sflag:s12] =	ssyncset.done $0x0  }
0xa3: {  	s21 =	simm.s32 $0x130;
	s23 =	simm.s32 $0x110;
	[sflag:s12] =	ssyncadd.s32 $0xFFFE7900  }
0xa4: {  	[tilespmem:s2], [sflag:$0x2] =	stream.strided.gather [hbm4b:s5+s9], $0x18700, s10, s9, $0x38;
	[tilespmem:$0x18800] =	vst v63  }
0xa5: {  	s22 =	simm.s32 $0x120;
	s24 =	simm.s32 $0xE0;
	_ =	swait.ge [sflag:s11], $0x18700  }
0xa6: {  	v18 =	vimm.f32 $-Inf;
	s25 =	simm.s32 $0xF0;
	s26 =	simm.s32 $0xD0;
	v10 =	vor.u32 s21, v0;
	[sflag:s11] =	ssyncset.done $0x0  }
0xa7: {  	s28 =	simm.s32 $0xB0;
	s29 =	simm.s32 $0xC0;
	v9 =	vor.u32 s19, v0;
	v12 =	vor.u32 s23, v0;
	v11 =	vor.u32 s22, v0;
	[sflag:s11] =	ssyncadd.s32 $0xFFFE7900  }
0xa8: {  	v19 =	vlaneseq.u32;
	v16 =	vor.u32 s26, v0;
	v15 =	vor.u32 s24, v0;
	[hbm4b:s6+s9] =	stream.strided.scatter [tilespmem:s2], [sflag:$0x1], $0x18700, s10, s9, $0x38;
	[tilespmem:$0x18800] =	vst v63  }
0xa9: {  	s30 =	simm.s32 $0x90;
	s31 =	simm.s32 $0x70;
	s23 =	simm.s32 $0xA0;
	v14 =	vor.u32 s25, v0;
	v24 =	vor.u32 s28, v0;
	v17 =	vor.u32 s29, v0;
	v20 =	vld [tilespmem:s15+$0xFFFF3B30]  }
0xaa: {  	s25 =	simm.s32 $0x50;
	s26 =	simm.s32 $0x60;
	v26 =	vor.u32 s31, v0;
	v28 =	vor.u32 s30, v0;
	s28 =	simm.s32 $0x10;
	v23 =	vor.u32 s23, v0;
	v21 =	vld [tilespmem:s15+$0xFFFFFE80]  }
0xab: {  	s29 =	simm.s32 $0x20;
	s24 =	simm.s32 $0x30;
	s30 =	simm.s32 $0x0;
	v31 =	vor.u32 s25, v0;
	v32 =	vor.u32 s26, v0;
	v33 =	vor.u32 s28, v0;
	v22 =	vld [tilespmem:s15+$0xFFFF3B40]  }
0xac: {  	s17 =	simm.s32 $0x170;
	s18 =	simm.s32 $0x160;
	s23 =	simm.s32 $0x40;
	v34 =	vor.u32 s29, v0;
	v36 =	vor.u32 s24, v0;
	v37 =	vor.u32 s30, v0;
	v25 =	vld [tilespmem:s15+$0xFFFFFE90]  }
0xad: {  	s16 =	simm.s32 $0x180;
	s20 =	simm.s32 $0x150;
	v30 =	vor.u32 s23, v0;
	v7 =	vor.u32 s18, v0;
	v6 =	vor.u32 s17, v0;
	s17 =	simm.s32 $0x100;
	v29 =	vld [tilespmem:s15+$0xFFFF3B50]  }
0xae: {  	v13 =	vor.u32 s17, v0;
	v8 =	vor.u32 s20, v0;
	s20 =	simm.s32 $0x80;
	v5 =	vor.u32 s16, v0;
	v35 =	vld [tilespmem:s15+$0xFFFFFEA0]  }
0xaf: {  	s31 =	sand.u32 $0xFFF0, s30;
	v27 =	vor.u32 s20, v0;
	v38 =	vld [tilespmem:s15+$0xFFFF3B60];
	vm0 =	vgt.f32 v20, v18;
	vm1 =	vgt.f32 v21, v18  }
0xb0: {  	v39 =	vld [tilespmem:s31+$0xC380];
	v20 =	vsel vm0, v20, v18;
	v18 =	vsel vm1, v21, v18;
	v44 =	vsel vm1, v37, v19  }
0xb1: {  	v45 =	vld [tilespmem:s15+$0xFFFF3B70];
	v19 =	vsel vm0, v37, v19;
	vm0 =	vgt.f32 v22, v20;
	vm1 =	vgt.f32 v25, v18  }
0xb2: {  	v46 =	vld [tilespmem:s15+$0xFFFFFEC0];
	v20 =	vsel vm0, v22, v20;
	v18 =	vsel vm1, v25, v18;
	v21 =	vsel vm1, v33, v44  }
0xb3: {  	v47 =	vld [tilespmem:s15+$0xFFFF3B80];
	v19 =	vsel vm0, v33, v19;
	vm0 =	vgt.f32 v29, v20;
	vm1 =	vgt.f32 v35, v18  }
0xb4: {  	v48 =	vld [tilespmem:s15+$0xFFFFFED0];
	v20 =	vsel vm0, v29, v20;
	v18 =	vsel vm1, v35, v18;
	v21 =	vsel vm1, v34, v21  }
0xb5: {  	v49 =	vld [tilespmem:s15+$0xFFFF3B90];
	v19 =	vsel vm0, v34, v19;
	vm0 =	vgt.f32 v38, v20;
	vm1 =	vgt.f32 v39, v18  }
0xb6: {  	v50 =	vld [tilespmem:s15+$0xFFFFFEE0];
	v20 =	vsel vm0, v38, v20;
	v18 =	vsel vm1, v39, v18;
	v21 =	vsel vm1, v36, v21  }
0xb7: {  	v51 =	vld [tilespmem:s15+$0xFFFF3BA0];
	v19 =	vsel vm0, v36, v19;
	vm0 =	vgt.f32 v45, v20;
	vm1 =	vgt.f32 v46, v18  }
0xb8: {  	s18 =	sand.u32 $0x70, s30;
	s20 =	sand.u32 $0x1FF80, s20;
	v52 =	vld [tilespmem:s15+$0xFFFFFEF0];
	v20 =	vsel vm0, v45, v20;
	v18 =	vsel vm1, v46, v18;
	v21 =	vsel vm1, v30, v21  }
0xb9: {  	s20 =	sor.u32 s18, s20;
	v53 =	vld [tilespmem:s15+$0xFFFFFF00];
	v19 =	vsel vm0, v30, v19;
	vm0 =	vgt.f32 v47, v20;
	vm1 =	vgt.f32 v48, v18  }
0xba: {  	v54 =	vld [tilespmem:s20+$0x0];
	v20 =	vsel vm0, v47, v20;
	v18 =	vsel vm1, v48, v18;
	v21 =	vsel vm1, v31, v21  }
0xbb: {  	v55 =	vld [tilespmem:s15+$0xFFFF3BC0];
	v19 =	vsel vm0, v31, v19;
	vm0 =	vgt.f32 v49, v20;
	vm1 =	vgt.f32 v50, v18  }
0xbc: {  	v56 =	vld [tilespmem:s15+$0xFFFFFF10];
	v20 =	vsel vm0, v49, v20;
	v18 =	vsel vm1, v50, v18;
	v21 =	vsel vm1, v32, v21  }
0xbd: {  	v57 =	vld [tilespmem:s15+$0xFFFF3BD0];
	v19 =	vsel vm0, v32, v19;
	vm0 =	vgt.f32 v51, v20;
	vm1 =	vgt.f32 v52, v18  }
0xbe: {  	v58 =	vld [tilespmem:s15+$0xFFFFFF20];
	v20 =	vsel vm0, v51, v20;
	v18 =	vsel vm1, v52, v18;
	v21 =	vsel vm1, v26, v21  }
0xbf: {  	v59 =	vld [tilespmem:s15+$0xFFFF3BE0];
	v19 =	vsel vm0, v26, v19;
	vm0 =	vgt.f32 v54, v20;
	vm1 =	vgt.f32 v53, v18  }
0xc0: {  	v60 =	vld [tilespmem:s31+$0xC400];
	v20 =	vsel vm0, v54, v20;
	v18 =	vsel vm1, v53, v18;
	v21 =	vsel vm1, v27, v21  }
0xc1: {  	v61 =	vld [tilespmem:s15+$0xFFFF3BF0];
	v19 =	vsel vm0, v27, v19;
	vm0 =	vgt.f32 v55, v20;
	vm1 =	vgt.f32 v56, v18  }
0xc2: {  	v62 =	vld [tilespmem:s15+$0xFFFFFF40];
	v20 =	vsel vm0, v55, v20;
	v18 =	vsel vm1, v56, v18;
	v21 =	vsel vm1, v28, v21  }
0xc3: {  	v63 =	vld [tilespmem:s15+$0xFFFF3C00];
	v19 =	vsel vm0, v28, v19;
	vm0 =	vgt.f32 v57, v20;
	vm1 =	vgt.f32 v58, v18  }
0xc4: {  	v31 =	vld [tilespmem:s15+$0xFFFFFF50];
	v20 =	vsel vm0, v57, v20;
	v18 =	vsel vm1, v58, v18;
	v21 =	vsel vm1, v23, v21  }
0xc5: {  	v33 =	vld [tilespmem:s15+$0xFFFFFF60];
	v19 =	vsel vm0, v23, v19;
	vm0 =	vgt.f32 v59, v20;
	vm1 =	vgt.f32 v60, v18  }
0xc6: {  	v32 =	vld [tilespmem:s15+$0xFFFF3C10];
	v20 =	vsel vm0, v59, v20;
	v18 =	vsel vm1, v60, v18;
	v21 =	vsel vm1, v24, v21  }
0xc7: {  	s17 =	sand.u32 $0x1FF80, s17;
	v34 =	vld [tilespmem:s15+$0xFFFF3C20];
	v19 =	vsel vm0, v24, v19;
	vm0 =	vgt.f32 v61, v20;
	vm1 =	vgt.f32 v62, v18  }
0xc8: {  	s17 =	sor.u32 s18, s17;
	v35 =	vld [tilespmem:s15+$0xFFFFFF70];
	v20 =	vsel vm0, v61, v20;
	v18 =	vsel vm1, v62, v18;
	v21 =	vsel vm1, v17, v21  }
0xc9: {  	v37 =	vld [tilespmem:s17+$0x0];
	v17 =	vsel vm0, v17, v19;
	vm0 =	vgt.f32 v63, v20;
	vm1 =	vgt.f32 v31, v18  }
0xca: {  	v36 =	vld [tilespmem:s15+$0xFFFFFF80];
	v20 =	vsel vm0, v63, v20;
	v18 =	vsel vm1, v31, v18;
	v21 =	vsel vm1, v16, v21  }
0xcb: {  	v38 =	vld [tilespmem:s15+$0xFFFF3C40];
	v16 =	vsel vm0, v16, v17;
	vm0 =	vgt.f32 v32, v20;
	vm1 =	vgt.f32 v33, v18  }
0xcc: {  	v39 =	vld [tilespmem:s15+$0xFFFFFF90];
	v20 =	vsel vm0, v32, v20;
	v18 =	vsel vm1, v33, v18;
	v21 =	vsel vm1, v15, v21  }
0xcd: {  	v40 =	vld [tilespmem:s15+$0xFFFF3C50];
	v15 =	vsel vm0, v15, v16;
	vm0 =	vgt.f32 v34, v20;
	vm1 =	vgt.f32 v35, v18  }
0xce: {  	v41 =	vld [tilespmem:s15+$0xFFFFFFA0];
	v20 =	vsel vm0, v34, v20;
	v18 =	vsel vm1, v35, v18;
	v21 =	vsel vm1, v14, v21  }
0xcf: {  	v42 =	vld [tilespmem:s15+$0xFFFF3C60];
	v14 =	vsel vm0, v14, v15;
	vm0 =	vgt.f32 v37, v20;
	vm1 =	vgt.f32 v36, v18  }
0xd0: {  	v44 =	vld [tilespmem:s31+$0xC480];
	v20 =	vsel vm0, v37, v20;
	v18 =	vsel vm1, v36, v18;
	v43 =	vsel vm1, v13, v21  }
0xd1: {  	v45 =	vld [tilespmem:s15+$0xFFFF3C70];
	v13 =	vsel vm0, v13, v14;
	vm0 =	vgt.f32 v38, v20;
	vm1 =	vgt.f32 v39, v18  }
0xd2: {  	v46 =	vld [tilespmem:s15+$0xFFFFFFC0];
	v17 =	vsel vm0, v38, v20;
	v18 =	vsel vm1, v39, v18;
	v19 =	vsel vm1, v12, v43  }
0xd3: {  	v47 =	vld [tilespmem:s15+$0xFFFF3C80];
	v12 =	vsel vm0, v12, v13;
	vm0 =	vgt.f32 v40, v17;
	vm1 =	vgt.f32 v41, v18  }
0xd4: {  	v50 =	vld [tilespmem:s15+$0xFFFFFFD0];
	v16 =	vsel vm0, v40, v17;
	v48 =	vsel vm1, v41, v18;
	v49 =	vsel vm1, v11, v19  }
0xd5: {  	v51 =	vld [tilespmem:s15+$0xFFFF3C90];
	v11 =	vsel vm0, v11, v12;
	vm0 =	vgt.f32 v42, v16;
	vm1 =	vgt.f32 v44, v48  }
0xd6: {  	v54 =	vld [tilespmem:s15+$0xFFFFFFE0];
	v15 =	vsel vm0, v42, v16;
	v52 =	vsel vm1, v44, v48;
	v53 =	vsel vm1, v10, v49  }
0xd7: {  	v57 =	vld [tilespmem:s15+$0xFFFFFFF0];
	v10 =	vsel vm0, v10, v11;
	vm0 =	vgt.f32 v45, v15;
	vm1 =	vgt.f32 v46, v52  }
0xd8: {  	s16 =	sand.u32 $0x1FF80, s16;
	v11 =	vld [tilespmem:s15+$0xFFFF3CA0];
	v14 =	vsel vm0, v45, v15;
	v55 =	vsel vm1, v46, v52;
	v56 =	vsel vm1, v9, v53  }
0xd9: {  	s16 =	sor.u32 s18, s16;
	v58 =	vsel vm0, v9, v10;
	v9 =	vld [tilespmem:s15+$0x0];
	vm0 =	vgt.f32 v47, v14;
	vm1 =	vgt.f32 v50, v55  }
0xda: {  	v10 =	vld [tilespmem:s16+$0x0];
	v13 =	vsel vm0, v47, v14;
	v59 =	vsel vm1, v50, v55;
	v60 =	vsel vm1, v8, v56  }
0xdb: {  	v8 =	vsel vm0, v8, v58;
	vm0 =	vgt.f32 v51, v13;
	vm1 =	vgt.f32 v54, v59  }
0xdc: {  	v12 =	vsel vm0, v51, v13;
	v61 =	vsel vm1, v54, v59;
	v62 =	vsel vm1, v7, v60  }
0xdd: {  	v63 =	vsel vm0, v7, v8;
	vm0 =	vgt.f32 v11, v12;
	vm1 =	vgt.f32 v57, v61  }
0xde: {  	v7 =	vsel vm0, v11, v12;
	v8 =	vsel vm1, v57, v61;
	v11 =	vsel vm1, v6, v62  }
0xdf: {  	s17 =	simm.s32 $0x310;
	s16 =	simm.s32 $0x0;
	v6 =	vsel vm0, v6, v63;
	vm0 =	vgt.f32 v10, v7;
	vm1 =	vgt.f32 v9, v8  }
.LBB2_4:
0xe0: {  	s18 =	sadd.s32 $0xFFFFFFF0, s17;
	v20 =	vsel vm0, v10, v7;
	v21 =	vsel vm1, v9, v8;
	v22 =	vsel vm1, v5, v11;
	s15 =	sadd.s32 $0x190, s15  }
0xe1: {  	s19 =	sadd.s32 $0xFFFFFFC0, s17;
	s20 =	sadd.s32 $0xFFFFFFD0, s17;
	s21 =	sadd.s32 $0xFFFFFFE0, s17;
	v23 =	vsel vm0, v5, v6  }
0xe2: {  	s22 =	sadd.s32 $0xFFFFFF90, s17;
	s23 =	sadd.s32 $0xFFFFFFA0, s17;
	s24 =	sadd.s32 $0xFFFFFFB0, s17;
	v5 =	vor.u32 s17, v0;
	v7 =	vor.u32 s21, v0;
	v6 =	vor.u32 s18, v0  }
0xe3: {  	s25 =	sadd.s32 $0xFFFFFF70, s17;
	s21 =	sadd.s32 $0xFFFFFF60, s17;
	s18 =	sadd.s32 $0xFFFFFF80, s17;
	v10 =	vor.u32 s24, v0;
	v9 =	vor.u32 s19, v0;
	v8 =	vor.u32 s20, v0  }
0xe4: {  	s19 =	sadd.s32 $0xFFFFFF30, s17;
	s20 =	sadd.s32 $0xFFFFFF40, s17;
	s24 =	sadd.s32 $0xFFFFFF50, s17;
	v12 =	vor.u32 s22, v0;
	v11 =	vor.u32 s23, v0;
	v13 =	vor.u32 s18, v0;
	v24 =	vld [tilespmem:s15+$0xFFFF3B30]  }
0xe5: {  	s16 =	sadd.s32 $0x19, s16;
	s22 =	sadd.s32 $0xFFFFFF10, s17;
	s23 =	sadd.s32 $0xFFFFFF20, s17;
	v14 =	vor.u32 s25, v0;
	v16 =	vor.u32 s24, v0;
	v15 =	vor.u32 s21, v0;
	v25 =	vld [tilespmem:s15+$0xFFFFFE80]  }
0xe6: {  	p0 =	slt.u32 s16, $0xC1C;
	s24 =	sadd.s32 $0xFFFFFEF0, s17;
	s21 =	sadd.s32 $0xFFFFFF00, s17;
	v19 =	vor.u32 s23, v0;
	v18 =	vor.u32 s19, v0;
	v17 =	vor.u32 s20, v0;
	v26 =	vld [tilespmem:s15+$0xFFFF3B40]  }
0xe7: {  	s19 =	sadd.s32 $0xFFFFFEC0, s17;
	s20 =	sadd.s32 $0xFFFFFED0, s17;
	s23 =	sadd.s32 $0xFFFFFEE0, s17;
	v30 =	vor.u32 s22, v0;
	v28 =	vor.u32 s24, v0;
	v29 =	vor.u32 s21, v0;
	v27 =	vld [tilespmem:s15+$0xFFFFFE90]  }
0xe8: {  	s25 =	sadd.s32 $0xFFFFFEB0, s17;
	s22 =	sadd.s32 $0xFFFFFE90, s17;
	s24 =	sadd.s32 $0xFFFFFEA0, s17;
	v32 =	vor.u32 s19, v0;
	v33 =	vor.u32 s20, v0;
	v34 =	vor.u32 s23, v0;
	v31 =	vld [tilespmem:s15+$0xFFFF3B50]  }
0xe9: {  	v38 =	vor.u32 s25, v0;
	s19 =	sadd.s32 $0xFFFFFE80, s17;
	v35 =	vor.u32 s22, v0;
	v36 =	vor.u32 s24, v0;
	v37 =	vld [tilespmem:s15+$0xFFFFFEA0]  }
0xea: {  	v39 =	vor.u32 s19, v0;
	s20 =	sand.u32 $0xFFF0, s19;
	vm0 =	vgt.f32 v24, v20;
	vm1 =	vgt.f32 v25, v21;
	v40 =	vld [tilespmem:s15+$0xFFFF3B60]  }
0xeb: {  	v20 =	vsel vm0, v24, v20;
	v21 =	vsel vm1, v25, v21;
	v22 =	vsel vm1, v39, v22;
	v24 =	vld [tilespmem:s20+$0xC380]  }
0xec: {  	v23 =	vsel vm0, v39, v23;
	vm0 =	vgt.f32 v26, v20;
	vm1 =	vgt.f32 v27, v21;
	v25 =	vld [tilespmem:s15+$0xFFFF3B70]  }
0xed: {  	v20 =	vsel vm0, v26, v20;
	v21 =	vsel vm1, v27, v21;
	v22 =	vsel vm1, v35, v22;
	v26 =	vld [tilespmem:s15+$0xFFFFFEC0]  }
0xee: {  	v23 =	vsel vm0, v35, v23;
	vm0 =	vgt.f32 v31, v20;
	vm1 =	vgt.f32 v37, v21;
	v27 =	vld [tilespmem:s15+$0xFFFF3B80]  }
0xef: {  	v20 =	vsel vm0, v31, v20;
	v21 =	vsel vm1, v37, v21;
	v22 =	vsel vm1, v36, v22;
	v31 =	vld [tilespmem:s15+$0xFFFFFED0]  }
0xf0: {  	v23 =	vsel vm0, v36, v23;
	vm0 =	vgt.f32 v40, v20;
	vm1 =	vgt.f32 v24, v21;
	v35 =	vld [tilespmem:s15+$0xFFFF3B90]  }
0xf1: {  	v20 =	vsel vm0, v40, v20;
	v21 =	vsel vm1, v24, v21;
	v22 =	vsel vm1, v38, v22;
	v24 =	vld [tilespmem:s15+$0xFFFFFEE0]  }
0xf2: {  	v23 =	vsel vm0, v38, v23;
	vm0 =	vgt.f32 v25, v20;
	vm1 =	vgt.f32 v26, v21;
	v36 =	vld [tilespmem:s15+$0xFFFF3BA0]  }
0xf3: {  	s21 =	sand.u32 $0x1FF80, s21;
	s19 =	sand.u32 $0x70, s19;
	v20 =	vsel vm0, v25, v20;
	v21 =	vsel vm1, v26, v21;
	v22 =	vsel vm1, v32, v22;
	v25 =	vld [tilespmem:s15+$0xFFFFFEF0]  }
0xf4: {  	s21 =	sor.u32 s19, s21;
	v23 =	vsel vm0, v32, v23;
	vm0 =	vgt.f32 v27, v20;
	vm1 =	vgt.f32 v31, v21;
	v26 =	vld [tilespmem:s15+$0xFFFFFF00]  }
0xf5: {  	v20 =	vsel vm0, v27, v20;
	v21 =	vsel vm1, v31, v21;
	v22 =	vsel vm1, v33, v22;
	v27 =	vld [tilespmem:s21+$0x0]  }
0xf6: {  	v23 =	vsel vm0, v33, v23;
	vm0 =	vgt.f32 v35, v20;
	vm1 =	vgt.f32 v24, v21;
	v31 =	vld [tilespmem:s15+$0xFFFF3BC0]  }
0xf7: {  	v20 =	vsel vm0, v35, v20;
	v21 =	vsel vm1, v24, v21;
	v22 =	vsel vm1, v34, v22;
	v24 =	vld [tilespmem:s15+$0xFFFFFF10]  }
0xf8: {  	v23 =	vsel vm0, v34, v23;
	vm0 =	vgt.f32 v36, v20;
	vm1 =	vgt.f32 v25, v21;
	v32 =	vld [tilespmem:s15+$0xFFFF3BD0]  }
0xf9: {  	v20 =	vsel vm0, v36, v20;
	v21 =	vsel vm1, v25, v21;
	v22 =	vsel vm1, v28, v22;
	v25 =	vld [tilespmem:s15+$0xFFFFFF20]  }
0xfa: {  	v23 =	vsel vm0, v28, v23;
	vm0 =	vgt.f32 v27, v20;
	vm1 =	vgt.f32 v26, v21;
	v28 =	vld [tilespmem:s15+$0xFFFF3BE0]  }
0xfb: {  	v20 =	vsel vm0, v27, v20;
	v21 =	vsel vm1, v26, v21;
	v22 =	vsel vm1, v29, v22;
	v26 =	vld [tilespmem:s20+$0xC400]  }
0xfc: {  	v23 =	vsel vm0, v29, v23;
	vm0 =	vgt.f32 v31, v20;
	vm1 =	vgt.f32 v24, v21;
	v27 =	vld [tilespmem:s15+$0xFFFF3BF0]  }
0xfd: {  	v20 =	vsel vm0, v31, v20;
	v21 =	vsel vm1, v24, v21;
	v22 =	vsel vm1, v30, v22;
	v24 =	vld [tilespmem:s15+$0xFFFFFF40]  }
0xfe: {  	v23 =	vsel vm0, v30, v23;
	vm0 =	vgt.f32 v32, v20;
	vm1 =	vgt.f32 v25, v21;
	v29 =	vld [tilespmem:s15+$0xFFFF3C00]  }
0xff: {  	v20 =	vsel vm0, v32, v20;
	v21 =	vsel vm1, v25, v21;
	v22 =	vsel vm1, v19, v22;
	v25 =	vld [tilespmem:s15+$0xFFFFFF50]  }
0x100: {  	v19 =	vsel vm0, v19, v23;
	vm0 =	vgt.f32 v28, v20;
	vm1 =	vgt.f32 v26, v21;
	v23 =	vld [tilespmem:s15+$0xFFFF3C10]  }
0x101: {  	v20 =	vsel vm0, v28, v20;
	v21 =	vsel vm1, v26, v21;
	v22 =	vsel vm1, v18, v22;
	v26 =	vld [tilespmem:s15+$0xFFFFFF60]  }
0x102: {  	v18 =	vsel vm0, v18, v19;
	vm0 =	vgt.f32 v27, v20;
	vm1 =	vgt.f32 v24, v21;
	v19 =	vld [tilespmem:s15+$0xFFFF3C20]  }
0x103: {  	s18 =	sand.u32 $0x1FF80, s18;
	v20 =	vsel vm0, v27, v20;
	v21 =	vsel vm1, v24, v21;
	v22 =	vsel vm1, v17, v22;
	v24 =	vld [tilespmem:s15+$0xFFFFFF70]  }
0x104: {  	s18 =	sor.u32 s19, s18;
	v17 =	vsel vm0, v17, v18;
	vm0 =	vgt.f32 v29, v20;
	vm1 =	vgt.f32 v25, v21;
	v18 =	vld [tilespmem:s15+$0xFFFFFF80]  }
0x105: {  	v20 =	vsel vm0, v29, v20;
	v21 =	vsel vm1, v25, v21;
	v22 =	vsel vm1, v16, v22;
	v25 =	vld [tilespmem:s18+$0x0]  }
0x106: {  	v16 =	vsel vm0, v16, v17;
	vm0 =	vgt.f32 v23, v20;
	vm1 =	vgt.f32 v26, v21;
	v17 =	vld [tilespmem:s15+$0xFFFF3C40]  }
0x107: {  	v20 =	vsel vm0, v23, v20;
	v21 =	vsel vm1, v26, v21;
	v22 =	vsel vm1, v15, v22;
	v23 =	vld [tilespmem:s15+$0xFFFFFF90]  }
0x108: {  	v15 =	vsel vm0, v15, v16;
	vm0 =	vgt.f32 v19, v20;
	vm1 =	vgt.f32 v24, v21;
	v16 =	vld [tilespmem:s15+$0xFFFF3C50]  }
0x109: {  	v19 =	vsel vm0, v19, v20;
	v20 =	vsel vm1, v24, v21;
	v21 =	vsel vm1, v14, v22;
	v22 =	vld [tilespmem:s15+$0xFFFFFFA0]  }
0x10a: {  	v14 =	vsel vm0, v14, v15;
	vm0 =	vgt.f32 v25, v19;
	vm1 =	vgt.f32 v18, v20;
	v15 =	vld [tilespmem:s15+$0xFFFF3C60]  }
0x10b: {  	v19 =	vsel vm0, v25, v19;
	v18 =	vsel vm1, v18, v20;
	v20 =	vsel vm1, v13, v21;
	v21 =	vld [tilespmem:s20+$0xC480]  }
0x10c: {  	v13 =	vsel vm0, v13, v14;
	vm0 =	vgt.f32 v17, v19;
	vm1 =	vgt.f32 v23, v18;
	v14 =	vld [tilespmem:s15+$0xFFFF3C70]  }
0x10d: {  	v17 =	vsel vm0, v17, v19;
	v18 =	vsel vm1, v23, v18;
	v19 =	vsel vm1, v12, v20;
	v20 =	vld [tilespmem:s15+$0xFFFFFFC0]  }
0x10e: {  	v12 =	vsel vm0, v12, v13;
	vm0 =	vgt.f32 v16, v17;
	vm1 =	vgt.f32 v22, v18;
	v13 =	vld [tilespmem:s15+$0xFFFF3C80]  }
0x10f: {  	v16 =	vsel vm0, v16, v17;
	v17 =	vsel vm1, v22, v18;
	v18 =	vsel vm1, v11, v19;
	v19 =	vld [tilespmem:s15+$0xFFFFFFD0]  }
0x110: {  	v11 =	vsel vm0, v11, v12;
	vm0 =	vgt.f32 v15, v16;
	vm1 =	vgt.f32 v21, v17;
	v12 =	vld [tilespmem:s15+$0xFFFF3C90]  }
0x111: {  	v15 =	vsel vm0, v15, v16;
	v16 =	vsel vm1, v21, v17;
	v17 =	vsel vm1, v10, v18;
	v18 =	vld [tilespmem:s15+$0xFFFFFFE0]  }
0x112: {  	v10 =	vsel vm0, v10, v11;
	vm0 =	vgt.f32 v14, v15;
	vm1 =	vgt.f32 v20, v16;
	v11 =	vld [tilespmem:s15+$0xFFFF3CA0]  }
0x113: {  	s18 =	sand.u32 $0x1FF80, s17;
	v14 =	vsel vm0, v14, v15;
	v15 =	vsel vm1, v20, v16;
	v16 =	vsel vm1, v9, v17;
	v17 =	vld [tilespmem:s15+$0xFFFFFFF0]  }
0x114: {  	s18 =	sor.u32 s19, s18;
	v20 =	vsel vm0, v9, v10;
	vm0 =	vgt.f32 v13, v14;
	vm1 =	vgt.f32 v19, v15;
	v9 =	vld [tilespmem:s15+$0x0]  }
0x115: {  	v13 =	vsel vm0, v13, v14;
	v14 =	vsel vm1, v19, v15;
	v15 =	vsel vm1, v8, v16;
	v10 =	vld [tilespmem:s18+$0x0]  }
.Ltmp1:
0x116: {  	v8 =	vsel vm0, v8, v20;
	vm0 =	vgt.f32 v12, v13;
	vm1 =	vgt.f32 v18, v14;
	(pc) =	sbr.rel @p0 .LBB2_4-.Ltmp1, $4  }
0x117: {  	v12 =	vsel vm0, v12, v13;
	v13 =	vsel vm1, v18, v14;
	v14 =	vsel vm1, v7, v15  }
0x118: {  	v15 =	vsel vm0, v7, v8;
	vm0 =	vgt.f32 v11, v12;
	vm1 =	vgt.f32 v17, v13  }
0x119: {  	v7 =	vsel vm0, v11, v12;
	v8 =	vsel vm1, v17, v13;
	v11 =	vsel vm1, v6, v14  }
0x11a: {  	s17 =	sadd.s32 $0x190, s17;
	v6 =	vsel vm0, v6, v15;
	vm0 =	vgt.f32 v10, v7;
	vm1 =	vgt.f32 v9, v8  }
0x11b: {  	v7 =	vsel vm0, v10, v7;
	v8 =	vsel vm1, v9, v8;
	v62 =	vsel vm1, v5, v11  }
0x11c: {  	v5 =	vsel vm0, v5, v6;
	vm4 =	vgt.f32 v8, v7;
	v6 =	vadd.s32 $0xC350, v62  }
0x11d: {  	v7 =	vsel vm4, v8, v7;
	v5 =	vsel vm4, v6, v5  }
0x11e: {  	v6 =	vperm.xlane v7, v1;
	v63 =	vperm.xlane v5, v1;
	_ =	sdelay $0x1  }
0x11f: {  	vm5 =	veq.f32 v6, v7;
	vm6 =	vlt.s32 v63, v5  }
0x120: {  	vm2 =	vgt.f32 v6, v7;
	vm0 =	vmand vm5, vm6  }
0x121: {  	vm0 =	vmor vm2, vm0  }
0x122: {  	v6 =	vsel vm0, v6, v7;
	v5 =	vsel vm0, v63, v5  }
0x123: {  	v7 =	vperm.xlane v6, v2;
	v8 =	vperm.xlane v5, v2;
	_ =	sdelay $0x1  }
0x124: {  	vm7 =	veq.f32 v7, v6;
	vm8 =	vlt.s32 v8, v5  }
0x125: {  	vm9 =	vgt.f32 v7, v6;
	vm0 =	vmand vm7, vm8  }
0x126: {  	vm0 =	vmor vm9, vm0  }
0x127: {  	v6 =	vsel vm0, v7, v6;
	v5 =	vsel vm0, v8, v5  }
0x128: {  	v7 =	vperm.xlane v6, v3;
	v8 =	vperm.xlane v5, v3;
	_ =	sdelay $0x1  }
0x129: {  	vm10 =	veq.f32 v7, v6;
	vm11 =	vlt.s32 v8, v5  }
0x12a: {  	vm12 =	vgt.f32 v7, v6;
	vm0 =	vmand vm10, vm11  }
0x12b: {  	vm0 =	vmor vm12, vm0  }
0x12c: {  	v6 =	vsel vm0, v7, v6;
	v5 =	vsel vm0, v8, v5  }
0x12d: {  	v7 =	vperm.xlane v6, v4;
	v8 =	vperm.xlane v5, v4;
	_ =	sdelay $0x1  }
0x12e: {  	vm13 =	veq.f32 v7, v6;
	vm14 =	vlt.s32 v8, v5  }
0x12f: {  	vm15 =	vgt.f32 v7, v6;
	vm0 =	vmand vm13, vm14  }
0x130: {  	vm0 =	vmor vm15, vm0  }
0x131: {  	v5 =	vsel vm0, v8, v5  }
0x132: {  	[tilespmem:$0x18780] =	vst v5  }
0x133: {  	s14 =	sadd.s32 $0x1, s14;
	_ =	swait.ge [sflag:s12], $0x18700  }
0x134: {  	p0 =	sne.s32 s14, s8;
	[sflag:s12] =	ssyncset.done $0x0  }
.Ltmp2:
0x135: {  	[sflag:s12] =	ssyncadd.s32 $0xFFFE7900;
	(pc) =	sbr.rel @p0 .LBB2_1-.Ltmp2, $4  }
0x136: {  	[hbm4b:s7+s2] =	stream.linear.scatter [tilespmem:s13], [sflag:$0x2], $0x100, $0x38;
	[tilespmem:$0x18800] =	vst v63  }
0x137: {  	_ =	swait.ge [sflag:s11], $0x100  }
0x138: {  	[sflag:s11] =	ssyncset.done $0x0  }
0x139: {  	[sflag:s11] =	ssyncadd.s32 $0xFFFFFF00  }
0x13a: {  	_ =	sfence.sel $0x180000  }
0x13b: {  	[bflag:$0x0] =	sbarrier.arrive $0xFFFF  }
0x13c: {  	p0 =	sne.s32 s1, $0x0;
	_ =	strace $0x90000047  }
0x13d: {  	s0 =	sadd.s32 @!p0 $0x100000, s0;
	[bflag:$0x2] =	sbarrier.arrive $0xFFFF  }
0x13e: {  	[sflag:s0] =	ssyncadd.tile.s32 @!p0 $0x1;
	_ =	shalt  }
.Lfunc_end2:
_tile_overlayer_lowered:
.L_overlay_start_2:
0x13f: {  	(tag) =	ssettag $0x2  }
0x140: {  	s0 =	rddreg [dreg:$0x0];
	s2 =	stileid.u32  }
0x141: {  	s1 =	rddreg [dreg:$0x1];
	p0 =	sne.s32 s2, $0x0  }
0x142: {  	s3 =	rddreg [dreg:$0x2];
	[bflag:$0x3] =	sbarrier.arrive $0xFFFF;
	s2 =	simm.s32 @!p0 $0x1C02  }
0x143: {  	[timem:s3], [sflag:s2] =	dma.local @!p0 [hbm:s0], s1  }
0x144: {  	s0 =	simm.s32 @!p0 $0x2  }
0x145: {  	_ =	swait.ge @!p0 [sflag:s0], s1  }
0x146: {  	s1 =	ssub.s32 @!p0 $0x0, s1;
	[sflag:s0] =	ssyncset.done @!p0 $0x0  }
0x147: {  	[sflag:s0] =	ssyncadd.s32 @!p0 s1  }
0x148: {  	[bflag:$0x3] =	sbarrier.arrive $0xFFFF  }
0x149: {  	_ =	shalt  }

</sc_bundles>
